<compile_context>
chip_gen: v7x
topology: tpu7x:2x2x1
jax: 0.10.2.dev20260603
libtpu: 0.0.44.dev20260713+nightly
codegen_flags: <defaults>
</compile_context>

<pallas_src>
import functools

import jax
import jax.numpy as jnp
from jax import lax
from jax.experimental import pallas as pl
from jax.experimental.pallas import tpu as pltpu
from jax.experimental.pallas import tpu_sc as plsc

B, C, H, W = 32, 384, 48, 48
R = B * H * W
NC, NS = 2, 16
NW = NC * NS
ROWS = R // NW
RB = 144
NB = ROWS // RB
DEPTH = 2

_mesh = plsc.VectorSubcoreMesh(core_axis_name="c", subcore_axis_name="s")


@functools.partial(
    pl.kernel,
    mesh=_mesh,
    out_type=jax.ShapeDtypeStruct((R, C), jnp.float32),
    scratch_types=(
        [pltpu.VMEM((RB, C), jnp.float32)] * DEPTH
        + [pltpu.SemaphoreType.DMA] * (2 * DEPTH)
    ),
)
def _copy_kernel(x_hbm, out_hbm, *scratch):
    bufs = list(scratch[:DEPTH])
    sin = list(scratch[DEPTH:2 * DEPTH])
    sout = list(scratch[2 * DEPTH:])
    wid = lax.axis_index("s") * NC + lax.axis_index("c")
    base = pl.multiple_of(wid * ROWS, 8)
    loads = [None] * DEPTH
    stores = [None] * DEPTH

    def start_load(i):
        b = i % DEPTH
        if stores[b] is not None:
            stores[b].wait()
        loads[b] = pltpu.make_async_copy(
            x_hbm.at[pl.ds(base + i * RB, RB)], bufs[b], sin[b])
        loads[b].start()

    for i in range(DEPTH - 1):
        start_load(i)
    for i in range(NB):
        b = i % DEPTH
        if i + DEPTH - 1 < NB:
            start_load(i + DEPTH - 1)
        loads[b].wait()
        stores[b] = pltpu.make_async_copy(
            bufs[b], out_hbm.at[pl.ds(base + i * RB, RB)], sout[b])
        stores[b].start()
    for b in range(DEPTH):
        if stores[b] is not None:
            stores[b].wait()


def kernel(x):
    xt = x.transpose(0, 2, 3, 1).reshape(R, C)
    out = _copy_kernel(xt)
    return out.reshape(B, H, W, C).transpose(0, 3, 1, 2)

# --- scband reference (transcript-rebuilt; emitter-appended) ---
"""Pipeline reference for scband-channel-expand-72361609003399 (READ-ONLY COPY).

The authoritative reference and input builder live on the scoring server;
editing this copy changes nothing except your own understanding.
"""

import jax, jax.numpy as jnp
import numpy as np

CHANNEL_NUM = 384

def setup_inputs(seed: int = 0) -> dict:
    key = jax.random.key(seed)
    x = jax.random.normal(key, (32, 384, 48, 48), dtype=jnp.float32)
    return {"x": x}

def reference(x):
    # Faithful translation: allocate zeros of shape (B, channel_num, H, W)
    # then scatter-overwrite along channel axis at idx = arange(channel_num).
    idx = jnp.arange(CHANNEL_NUM)
    data = jnp.zeros((x.shape[0], CHANNEL_NUM, x.shape[2], x.shape[3]), dtype=x.dtype)
    data = data.at[:, idx, :, :].set(x)
    return data

if __name__ == "__main__":
    import jax
    _d = setup_inputs()
    print(jax.jit(kernel)(*tuple(_d.values())))

</pallas_src>

<mosaic_0001>
#map = affine_map<(d0, d1) -> (0, 0)>
module attributes {stable_mosaic.version = 14 : i64} {
  func.func @_copy_kernel(%arg0: i32, %arg1: i32, %arg2: memref<73728x384xf32, #tpu.memory_space<hbm>>, %arg3: memref<73728x384xf32, #tpu.memory_space<hbm>>, %arg4: memref<144x384xf32, #tpu.memory_space<vmem>>, %arg5: memref<144x384xf32, #tpu.memory_space<vmem>>, %arg6: memref<!tpu.dma_semaphore, #tpu.memory_space<semaphore_mem>>, %arg7: memref<!tpu.dma_semaphore, #tpu.memory_space<semaphore_mem>>, %arg8: memref<!tpu.dma_semaphore, #tpu.memory_space<semaphore_mem>>, %arg9: memref<!tpu.dma_semaphore, #tpu.memory_space<semaphore_mem>>) attributes {dimension_semantics = [#tpu.dimension_semantics<core_parallel>, #tpu.dimension_semantics<subcore_parallel>], iteration_bounds = array<i64: 2, 16>, scalar_prefetch = 0 : i64, scratch_operands = 6 : i64, tpu.core_type = #tpu.core_type<sc_vector_subcore>, window_params = [{transform_indices = #map}, {transform_indices = #map}]} {
    %mul3A = arith.constant 2 : i32
    %mul3A_0 = arith.muli %arg1, %mul3A : i32
    %add3A = arith.addi %mul3A_0, %arg0 : i32
    %mul3A_1 = arith.constant 2304 : i32
    %mul3A_2 = arith.muli %add3A, %mul3A_1 : i32
    %multiple_of3A = tpu.assume_multiple %mul3A_2, 8 : i32
    %add3A_3 = arith.constant 0 : i32
    %add3A_4 = arith.addi %multiple_of3A, %add3A_3 : i32
    %dma_start3A = arith.constant 0 : i32
    %dma_start3A_5 = tpu.memref_slice %arg2[%add3A_4, %dma_start3A] : memref<73728x384xf32, #tpu.memory_space<hbm>> -> memref<144x384xf32, #tpu.memory_space<hbm>>
    %dma_start3A_6 = arith.constant 0 : i32
    %dma_start3A_7 = tpu.memref_slice %arg2[%add3A_4, %dma_start3A_6] : memref<73728x384xf32, #tpu.memory_space<hbm>> -> memref<144x384xf32, #tpu.memory_space<hbm>>
    tpu.enqueue_dma source(%dma_start3A_7 : memref<144x384xf32, #tpu.memory_space<hbm>>) target(%arg4 : memref<144x384xf32, #tpu.memory_space<vmem>>) target_semaphore(%arg6 : memref<!tpu.dma_semaphore, #tpu.memory_space<semaphore_mem>>)
    %add3A_8 = arith.constant 144 : i32
    %add3A_9 = arith.addi %multiple_of3A, %add3A_8 : i32
    %dma_start3A_10 = arith.constant 0 : i32
    %dma_start3A_11 = tpu.memref_slice %arg2[%add3A_9, %dma_start3A_10] : memref<73728x384xf32, #tpu.memory_space<hbm>> -> memref<144x384xf32, #tpu.memory_space<hbm>>
    %dma_start3A_12 = arith.constant 0 : i32
    %dma_start3A_13 = tpu.memref_slice %arg2[%add3A_9, %dma_start3A_12] : memref<73728x384xf32, #tpu.memory_space<hbm>> -> memref<144x384xf32, #tpu.memory_space<hbm>>
    tpu.enqueue_dma source(%dma_start3A_13 : memref<144x384xf32, #tpu.memory_space<hbm>>) target(%arg5 : memref<144x384xf32, #tpu.memory_space<vmem>>) target_semaphore(%arg7 : memref<!tpu.dma_semaphore, #tpu.memory_space<semaphore_mem>>)
    %dma_wait3A = arith.constant 0 : i32
    %dma_wait3A_14 = tpu.memref_slice %arg2[%add3A_4, %dma_wait3A] : memref<73728x384xf32, #tpu.memory_space<hbm>> -> memref<144x384xf32, #tpu.memory_space<hbm>>
    %dma_wait3A_15 = arith.constant 0 : i32
    %dma_wait3A_16 = tpu.memref_slice %arg2[%add3A_4, %dma_wait3A_15] : memref<73728x384xf32, #tpu.memory_space<hbm>> -> memref<144x384xf32, #tpu.memory_space<hbm>>
    tpu.wait_dma2 semaphore(%arg6 : memref<!tpu.dma_semaphore, #tpu.memory_space<semaphore_mem>>) src(%dma_wait3A_16 : memref<144x384xf32, #tpu.memory_space<hbm>>) dst(%arg4 : memref<144x384xf32, #tpu.memory_space<vmem>>)
    %add3A_17 = arith.constant 0 : i32
    %add3A_18 = arith.addi %multiple_of3A, %add3A_17 : i32
    %dma_start3A_19 = arith.constant 0 : i32
    %dma_start3A_20 = tpu.memref_slice %arg3[%add3A_18, %dma_start3A_19] : memref<73728x384xf32, #tpu.memory_space<hbm>> -> memref<144x384xf32, #tpu.memory_space<hbm>>
    %dma_start3A_21 = arith.constant 0 : i32
    %dma_start3A_22 = tpu.memref_slice %arg3[%add3A_18, %dma_start3A_21] : memref<73728x384xf32, #tpu.memory_space<hbm>> -> memref<144x384xf32, #tpu.memory_space<hbm>>
    tpu.enqueue_dma source(%arg4 : memref<144x384xf32, #tpu.memory_space<vmem>>) target(%dma_start3A_22 : memref<144x384xf32, #tpu.memory_space<hbm>>) target_semaphore(%arg8 : memref<!tpu.dma_semaphore, #tpu.memory_space<semaphore_mem>>)
    %dma_wait3A_23 = arith.constant 0 : i32
    %dma_wait3A_24 = tpu.memref_slice %arg3[%add3A_18, %dma_wait3A_23] : memref<73728x384xf32, #tpu.memory_space<hbm>> -> memref<144x384xf32, #tpu.memory_space<hbm>>
    %dma_wait3A_25 = arith.constant 0 : i32
    %dma_wait3A_26 = tpu.memref_slice %arg3[%add3A_18, %dma_wait3A_25] : memref<73728x384xf32, #tpu.memory_space<hbm>> -> memref<144x384xf32, #tpu.memory_space<hbm>>
    tpu.wait_dma2 semaphore(%arg8 : memref<!tpu.dma_semaphore, #tpu.memory_space<semaphore_mem>>) src(%arg4 : memref<144x384xf32, #tpu.memory_space<vmem>>) dst(%dma_wait3A_26 : memref<144x384xf32, #tpu.memory_space<hbm>>)
    %add3A_27 = arith.constant 288 : i32
    %add3A_28 = arith.addi %multiple_of3A, %add3A_27 : i32
    %dma_start3A_29 = arith.constant 0 : i32
    %dma_start3A_30 = tpu.memref_slice %arg2[%add3A_28, %dma_start3A_29] : memref<73728x384xf32, #tpu.memory_space<hbm>> -> memref<144x384xf32, #tpu.memory_space<hbm>>
    %dma_start3A_31 = arith.constant 0 : i32
    %dma_start3A_32 = tpu.memref_slice %arg2[%add3A_28, %dma_start3A_31] : memref<73728x384xf32, #tpu.memory_space<hbm>> -> memref<144x384xf32, #tpu.memory_space<hbm>>
    tpu.enqueue_dma source(%dma_start3A_32 : memref<144x384xf32, #tpu.memory_space<hbm>>) target(%arg4 : memref<144x384xf32, #tpu.memory_space<vmem>>) target_semaphore(%arg6 : memref<!tpu.dma_semaphore, #tpu.memory_space<semaphore_mem>>)
    %dma_wait3A_33 = arith.constant 0 : i32
    %dma_wait3A_34 = tpu.memref_slice %arg2[%add3A_9, %dma_wait3A_33] : memref<73728x384xf32, #tpu.memory_space<hbm>> -> memref<144x384xf32, #tpu.memory_space<hbm>>
    %dma_wait3A_35 = arith.constant 0 : i32
    %dma_wait3A_36 = tpu.memref_slice %arg2[%add3A_9, %dma_wait3A_35] : memref<73728x384xf32, #tpu.memory_space<hbm>> -> memref<144x384xf32, #tpu.memory_space<hbm>>
    tpu.wait_dma2 semaphore(%arg7 : memref<!tpu.dma_semaphore, #tpu.memory_space<semaphore_mem>>) src(%dma_wait3A_36 : memref<144x384xf32, #tpu.memory_space<hbm>>) dst(%arg5 : memref<144x384xf32, #tpu.memory_space<vmem>>)
    %add3A_37 = arith.constant 144 : i32
    %add3A_38 = arith.addi %multiple_of3A, %add3A_37 : i32
    %dma_start3A_39 = arith.constant 0 : i32
    %dma_start3A_40 = tpu.memref_slice %arg3[%add3A_38, %dma_start3A_39] : memref<73728x384xf32, #tpu.memory_space<hbm>> -> memref<144x384xf32, #tpu.memory_space<hbm>>
    %dma_start3A_41 = arith.constant 0 : i32
    %dma_start3A_42 = tpu.memref_slice %arg3[%add3A_38, %dma_start3A_41] : memref<73728x384xf32, #tpu.memory_space<hbm>> -> memref<144x384xf32, #tpu.memory_space<hbm>>
    tpu.enqueue_dma source(%arg5 : memref<144x384xf32, #tpu.memory_space<vmem>>) target(%dma_start3A_42 : memref<144x384xf32, #tpu.memory_space<hbm>>) target_semaphore(%arg9 : memref<!tpu.dma_semaphore, #tpu.memory_space<semaphore_mem>>)
    %dma_wait3A_43 = arith.constant 0 : i32
    %dma_wait3A_44 = tpu.memref_slice %arg3[%add3A_38, %dma_wait3A_43] : memref<73728x384xf32, #tpu.memory_space<hbm>> -> memref<144x384xf32, #tpu.memory_space<hbm>>
    %dma_wait3A_45 = arith.constant 0 : i32
    %dma_wait3A_46 = tpu.memref_slice %arg3[%add3A_38, %dma_wait3A_45] : memref<73728x384xf32, #tpu.memory_space<hbm>> -> memref<144x384xf32, #tpu.memory_space<hbm>>
    tpu.wait_dma2 semaphore(%arg9 : memref<!tpu.dma_semaphore, #tpu.memory_space<semaphore_mem>>) src(%arg5 : memref<144x384xf32, #tpu.memory_space<vmem>>) dst(%dma_wait3A_46 : memref<144x384xf32, #tpu.memory_space<hbm>>)
    %add3A_47 = arith.constant 432 : i32
    %add3A_48 = arith.addi %multiple_of3A, %add3A_47 : i32
    %dma_start3A_49 = arith.constant 0 : i32
    %dma_start3A_50 = tpu.memref_slice %arg2[%add3A_48, %dma_start3A_49] : memref<73728x384xf32, #tpu.memory_space<hbm>> -> memref<144x384xf32, #tpu.memory_space<hbm>>
    %dma_start3A_51 = arith.constant 0 : i32
    %dma_start3A_52 = tpu.memref_slice %arg2[%add3A_48, %dma_start3A_51] : memref<73728x384xf32, #tpu.memory_space<hbm>> -> memref<144x384xf32, #tpu.memory_space<hbm>>
    tpu.enqueue_dma source(%dma_start3A_52 : memref<144x384xf32, #tpu.memory_space<hbm>>) target(%arg5 : memref<144x384xf32, #tpu.memory_space<vmem>>) target_semaphore(%arg7 : memref<!tpu.dma_semaphore, #tpu.memory_space<semaphore_mem>>)
    %dma_wait3A_53 = arith.constant 0 : i32
    %dma_wait3A_54 = tpu.memref_slice %arg2[%add3A_28, %dma_wait3A_53] : memref<73728x384xf32, #tpu.memory_space<hbm>> -> memref<144x384xf32, #tpu.memory_space<hbm>>
    %dma_wait3A_55 = arith.constant 0 : i32
    %dma_wait3A_56 = tpu.memref_slice %arg2[%add3A_28, %dma_wait3A_55] : memref<73728x384xf32, #tpu.memory_space<hbm>> -> memref<144x384xf32, #tpu.memory_space<hbm>>
    tpu.wait_dma2 semaphore(%arg6 : memref<!tpu.dma_semaphore, #tpu.memory_space<semaphore_mem>>) src(%dma_wait3A_56 : memref<144x384xf32, #tpu.memory_space<hbm>>) dst(%arg4 : memref<144x384xf32, #tpu.memory_space<vmem>>)
    %add3A_57 = arith.constant 288 : i32
    %add3A_58 = arith.addi %multiple_of3A, %add3A_57 : i32
    %dma_start3A_59 = arith.constant 0 : i32
    %dma_start3A_60 = tpu.memref_slice %arg3[%add3A_58, %dma_start3A_59] : memref<73728x384xf32, #tpu.memory_space<hbm>> -> memref<144x384xf32, #tpu.memory_space<hbm>>
    %dma_start3A_61 = arith.constant 0 : i32
    %dma_start3A_62 = tpu.memref_slice %arg3[%add3A_58, %dma_start3A_61] : memref<73728x384xf32, #tpu.memory_space<hbm>> -> memref<144x384xf32, #tpu.memory_space<hbm>>
    tpu.enqueue_dma source(%arg4 : memref<144x384xf32, #tpu.memory_space<vmem>>) target(%dma_start3A_62 : memref<144x384xf32, #tpu.memory_space<hbm>>) target_semaphore(%arg8 : memref<!tpu.dma_semaphore, #tpu.memory_space<semaphore_mem>>)
    %dma_wait3A_63 = arith.constant 0 : i32
    %dma_wait3A_64 = tpu.memref_slice %arg3[%add3A_58, %dma_wait3A_63] : memref<73728x384xf32, #tpu.memory_space<hbm>> -> memref<144x384xf32, #tpu.memory_space<hbm>>
    %dma_wait3A_65 = arith.constant 0 : i32
    %dma_wait3A_66 = tpu.memref_slice %arg3[%add3A_58, %dma_wait3A_65] : memref<73728x384xf32, #tpu.memory_space<hbm>> -> memref<144x384xf32, #tpu.memory_space<hbm>>
    tpu.wait_dma2 semaphore(%arg8 : memref<!tpu.dma_semaphore, #tpu.memory_space<semaphore_mem>>) src(%arg4 : memref<144x384xf32, #tpu.memory_space<vmem>>) dst(%dma_wait3A_66 : memref<144x384xf32, #tpu.memory_space<hbm>>)
    %add3A_67 = arith.constant 576 : i32
    %add3A_68 = arith.addi %multiple_of3A, %add3A_67 : i32
    %dma_start3A_69 = arith.constant 0 : i32
    %dma_start3A_70 = tpu.memref_slice %arg2[%add3A_68, %dma_start3A_69] : memref<73728x384xf32, #tpu.memory_space<hbm>> -> memref<144x384xf32, #tpu.memory_space<hbm>>
    %dma_start3A_71 = arith.constant 0 : i32
    %dma_start3A_72 = tpu.memref_slice %arg2[%add3A_68, %dma_start3A_71] : memref<73728x384xf32, #tpu.memory_space<hbm>> -> memref<144x384xf32, #tpu.memory_space<hbm>>
    tpu.enqueue_dma source(%dma_start3A_72 : memref<144x384xf32, #tpu.memory_space<hbm>>) target(%arg4 : memref<144x384xf32, #tpu.memory_space<vmem>>) target_semaphore(%arg6 : memref<!tpu.dma_semaphore, #tpu.memory_space<semaphore_mem>>)
    %dma_wait3A_73 = arith.constant 0 : i32
    %dma_wait3A_74 = tpu.memref_slice %arg2[%add3A_48, %dma_wait3A_73] : memref<73728x384xf32, #tpu.memory_space<hbm>> -> memref<144x384xf32, #tpu.memory_space<hbm>>
    %dma_wait3A_75 = arith.constant 0 : i32
    %dma_wait3A_76 = tpu.memref_slice %arg2[%add3A_48, %dma_wait3A_75] : memref<73728x384xf32, #tpu.memory_space<hbm>> -> memref<144x384xf32, #tpu.memory_space<hbm>>
    tpu.wait_dma2 semaphore(%arg7 : memref<!tpu.dma_semaphore, #tpu.memory_space<semaphore_mem>>) src(%dma_wait3A_76 : memref<144x384xf32, #tpu.memory_space<hbm>>) dst(%arg5 : memref<144x384xf32, #tpu.memory_space<vmem>>)
    %add3A_77 = arith.constant 432 : i32
    %add3A_78 = arith.addi %multiple_of3A, %add3A_77 : i32
    %dma_start3A_79 = arith.constant 0 : i32
    %dma_start3A_80 = tpu.memref_slice %arg3[%add3A_78, %dma_start3A_79] : memref<73728x384xf32, #tpu.memory_space<hbm>> -> memref<144x384xf32, #tpu.memory_space<hbm>>
    %dma_start3A_81 = arith.constant 0 : i32
    %dma_start3A_82 = tpu.memref_slice %arg3[%add3A_78, %dma_start3A_81] : memref<73728x384xf32, #tpu.memory_space<hbm>> -> memref<144x384xf32, #tpu.memory_space<hbm>>
    tpu.enqueue_dma source(%arg5 : memref<144x384xf32, #tpu.memory_space<vmem>>) target(%dma_start3A_82 : memref<144x384xf32, #tpu.memory_space<hbm>>) target_semaphore(%arg9 : memref<!tpu.dma_semaphore, #tpu.memory_space<semaphore_mem>>)
    %dma_wait3A_83 = arith.constant 0 : i32
    %dma_wait3A_84 = tpu.memref_slice %arg3[%add3A_78, %dma_wait3A_83] : memref<73728x384xf32, #tpu.memory_space<hbm>> -> memref<144x384xf32, #tpu.memory_space<hbm>>
    %dma_wait3A_85 = arith.constant 0 : i32
    %dma_wait3A_86 = tpu.memref_slice %arg3[%add3A_78, %dma_wait3A_85] : memref<73728x384xf32, #tpu.memory_space<hbm>> -> memref<144x384xf32, #tpu.memory_space<hbm>>
    tpu.wait_dma2 semaphore(%arg9 : memref<!tpu.dma_semaphore, #tpu.memory_space<semaphore_mem>>) src(%arg5 : memref<144x384xf32, #tpu.memory_space<vmem>>) dst(%dma_wait3A_86 : memref<144x384xf32, #tpu.memory_space<hbm>>)
    %add3A_87 = arith.constant 720 : i32
    %add3A_88 = arith.addi %multiple_of3A, %add3A_87 : i32
    %dma_start3A_89 = arith.constant 0 : i32
    %dma_start3A_90 = tpu.memref_slice %arg2[%add3A_88, %dma_start3A_89] : memref<73728x384xf32, #tpu.memory_space<hbm>> -> memref<144x384xf32, #tpu.memory_space<hbm>>
    %dma_start3A_91 = arith.constant 0 : i32
    %dma_start3A_92 = tpu.memref_slice %arg2[%add3A_88, %dma_start3A_91] : memref<73728x384xf32, #tpu.memory_space<hbm>> -> memref<144x384xf32, #tpu.memory_space<hbm>>
    tpu.enqueue_dma source(%dma_start3A_92 : memref<144x384xf32, #tpu.memory_space<hbm>>) target(%arg5 : memref<144x384xf32, #tpu.memory_space<vmem>>) target_semaphore(%arg7 : memref<!tpu.dma_semaphore, #tpu.memory_space<semaphore_mem>>)
    %dma_wait3A_93 = arith.constant 0 : i32
    %dma_wait3A_94 = tpu.memref_slice %arg2[%add3A_68, %dma_wait3A_93] : memref<73728x384xf32, #tpu.memory_space<hbm>> -> memref<144x384xf32, #tpu.memory_space<hbm>>
    %dma_wait3A_95 = arith.constant 0 : i32
    %dma_wait3A_96 = tpu.memref_slice %arg2[%add3A_68, %dma_wait3A_95] : memref<73728x384xf32, #tpu.memory_space<hbm>> -> memref<144x384xf32, #tpu.memory_space<hbm>>
    tpu.wait_dma2 semaphore(%arg6 : memref<!tpu.dma_semaphore, #tpu.memory_space<semaphore_mem>>) src(%dma_wait3A_96 : memref<144x384xf32, #tpu.memory_space<hbm>>) dst(%arg4 : memref<144x384xf32, #tpu.memory_space<vmem>>)
    %add3A_97 = arith.constant 576 : i32
    %add3A_98 = arith.addi %multiple_of3A, %add3A_97 : i32
    %dma_start3A_99 = arith.constant 0 : i32
    %dma_start3A_100 = tpu.memref_slice %arg3[%add3A_98, %dma_start3A_99] : memref<73728x384xf32, #tpu.memory_space<hbm>> -> memref<144x384xf32, #tpu.memory_space<hbm>>
    %dma_start3A_101 = arith.constant 0 : i32
    %dma_start3A_102 = tpu.memref_slice %arg3[%add3A_98, %dma_start3A_101] : memref<73728x384xf32, #tpu.memory_space<hbm>> -> memref<144x384xf32, #tpu.memory_space<hbm>>
    tpu.enqueue_dma source(%arg4 : memref<144x384xf32, #tpu.memory_space<vmem>>) target(%dma_start3A_102 : memref<144x384xf32, #tpu.memory_space<hbm>>) target_semaphore(%arg8 : memref<!tpu.dma_semaphore, #tpu.memory_space<semaphore_mem>>)
    %dma_wait3A_103 = arith.constant 0 : i32
    %dma_wait3A_104 = tpu.memref_slice %arg3[%add3A_98, %dma_wait3A_103] : memref<73728x384xf32, #tpu.memory_space<hbm>> -> memref<144x384xf32, #tpu.memory_space<hbm>>
    %dma_wait3A_105 = arith.constant 0 : i32
    %dma_wait3A_106 = tpu.memref_slice %arg3[%add3A_98, %dma_wait3A_105] : memref<73728x384xf32, #tpu.memory_space<hbm>> -> memref<144x384xf32, #tpu.memory_space<hbm>>
    tpu.wait_dma2 semaphore(%arg8 : memref<!tpu.dma_semaphore, #tpu.memory_space<semaphore_mem>>) src(%arg4 : memref<144x384xf32, #tpu.memory_space<vmem>>) dst(%dma_wait3A_106 : memref<144x384xf32, #tpu.memory_space<hbm>>)
    %add3A_107 = arith.constant 864 : i32
    %add3A_108 = arith.addi %multiple_of3A, %add3A_107 : i32
    %dma_start3A_109 = arith.constant 0 : i32
    %dma_start3A_110 = tpu.memref_slice %arg2[%add3A_108, %dma_start3A_109] : memref<73728x384xf32, #tpu.memory_space<hbm>> -> memref<144x384xf32, #tpu.memory_space<hbm>>
    %dma_start3A_111 = arith.constant 0 : i32
    %dma_start3A_112 = tpu.memref_slice %arg2[%add3A_108, %dma_start3A_111] : memref<73728x384xf32, #tpu.memory_space<hbm>> -> memref<144x384xf32, #tpu.memory_space<hbm>>
    tpu.enqueue_dma source(%dma_start3A_112 : memref<144x384xf32, #tpu.memory_space<hbm>>) target(%arg4 : memref<144x384xf32, #tpu.memory_space<vmem>>) target_semaphore(%arg6 : memref<!tpu.dma_semaphore, #tpu.memory_space<semaphore_mem>>)
    %dma_wait3A_113 = arith.constant 0 : i32
    %dma_wait3A_114 = tpu.memref_slice %arg2[%add3A_88, %dma_wait3A_113] : memref<73728x384xf32, #tpu.memory_space<hbm>> -> memref<144x384xf32, #tpu.memory_space<hbm>>
    %dma_wait3A_115 = arith.constant 0 : i32
    %dma_wait3A_116 = tpu.memref_slice %arg2[%add3A_88, %dma_wait3A_115] : memref<73728x384xf32, #tpu.memory_space<hbm>> -> memref<144x384xf32, #tpu.memory_space<hbm>>
    tpu.wait_dma2 semaphore(%arg7 : memref<!tpu.dma_semaphore, #tpu.memory_space<semaphore_mem>>) src(%dma_wait3A_116 : memref<144x384xf32, #tpu.memory_space<hbm>>) dst(%arg5 : memref<144x384xf32, #tpu.memory_space<vmem>>)
    %add3A_117 = arith.constant 720 : i32
    %add3A_118 = arith.addi %multiple_of3A, %add3A_117 : i32
    %dma_start3A_119 = arith.constant 0 : i32
    %dma_start3A_120 = tpu.memref_slice %arg3[%add3A_118, %dma_start3A_119] : memref<73728x384xf32, #tpu.memory_space<hbm>> -> memref<144x384xf32, #tpu.memory_space<hbm>>
    %dma_start3A_121 = arith.constant 0 : i32
    %dma_start3A_122 = tpu.memref_slice %arg3[%add3A_118, %dma_start3A_121] : memref<73728x384xf32, #tpu.memory_space<hbm>> -> memref<144x384xf32, #tpu.memory_space<hbm>>
    tpu.enqueue_dma source(%arg5 : memref<144x384xf32, #tpu.memory_space<vmem>>) target(%dma_start3A_122 : memref<144x384xf32, #tpu.memory_space<hbm>>) target_semaphore(%arg9 : memref<!tpu.dma_semaphore, #tpu.memory_space<semaphore_mem>>)
    %dma_wait3A_123 = arith.constant 0 : i32
    %dma_wait3A_124 = tpu.memref_slice %arg3[%add3A_118, %dma_wait3A_123] : memref<73728x384xf32, #tpu.memory_space<hbm>> -> memref<144x384xf32, #tpu.memory_space<hbm>>
    %dma_wait3A_125 = arith.constant 0 : i32
    %dma_wait3A_126 = tpu.memref_slice %arg3[%add3A_118, %dma_wait3A_125] : memref<73728x384xf32, #tpu.memory_space<hbm>> -> memref<144x384xf32, #tpu.memory_space<hbm>>
    tpu.wait_dma2 semaphore(%arg9 : memref<!tpu.dma_semaphore, #tpu.memory_space<semaphore_mem>>) src(%arg5 : memref<144x384xf32, #tpu.memory_space<vmem>>) dst(%dma_wait3A_126 : memref<144x384xf32, #tpu.memory_space<hbm>>)
    %add3A_127 = arith.constant 1008 : i32
    %add3A_128 = arith.addi %multiple_of3A, %add3A_127 : i32
    %dma_start3A_129 = arith.constant 0 : i32
    %dma_start3A_130 = tpu.memref_slice %arg2[%add3A_128, %dma_start3A_129] : memref<73728x384xf32, #tpu.memory_space<hbm>> -> memref<144x384xf32, #tpu.memory_space<hbm>>
    %dma_start3A_131 = arith.constant 0 : i32
    %dma_start3A_132 = tpu.memref_slice %arg2[%add3A_128, %dma_start3A_131] : memref<73728x384xf32, #tpu.memory_space<hbm>> -> memref<144x384xf32, #tpu.memory_space<hbm>>
    tpu.enqueue_dma source(%dma_start3A_132 : memref<144x384xf32, #tpu.memory_space<hbm>>) target(%arg5 : memref<144x384xf32, #tpu.memory_space<vmem>>) target_semaphore(%arg7 : memref<!tpu.dma_semaphore, #tpu.memory_space<semaphore_mem>>)
    %dma_wait3A_133 = arith.constant 0 : i32
    %dma_wait3A_134 = tpu.memref_slice %arg2[%add3A_108, %dma_wait3A_133] : memref<73728x384xf32, #tpu.memory_space<hbm>> -> memref<144x384xf32, #tpu.memory_space<hbm>>
    %dma_wait3A_135 = arith.constant 0 : i32
    %dma_wait3A_136 = tpu.memref_slice %arg2[%add3A_108, %dma_wait3A_135] : memref<73728x384xf32, #tpu.memory_space<hbm>> -> memref<144x384xf32, #tpu.memory_space<hbm>>
    tpu.wait_dma2 semaphore(%arg6 : memref<!tpu.dma_semaphore, #tpu.memory_space<semaphore_mem>>) src(%dma_wait3A_136 : memref<144x384xf32, #tpu.memory_space<hbm>>) dst(%arg4 : memref<144x384xf32, #tpu.memory_space<vmem>>)
    %add3A_137 = arith.constant 864 : i32
    %add3A_138 = arith.addi %multiple_of3A, %add3A_137 : i32
    %dma_start3A_139 = arith.constant 0 : i32
    %dma_start3A_140 = tpu.memref_slice %arg3[%add3A_138, %dma_start3A_139] : memref<73728x384xf32, #tpu.memory_space<hbm>> -> memref<144x384xf32, #tpu.memory_space<hbm>>
    %dma_start3A_141 = arith.constant 0 : i32
    %dma_start3A_142 = tpu.memref_slice %arg3[%add3A_138, %dma_start3A_141] : memref<73728x384xf32, #tpu.memory_space<hbm>> -> memref<144x384xf32, #tpu.memory_space<hbm>>
    tpu.enqueue_dma source(%arg4 : memref<144x384xf32, #tpu.memory_space<vmem>>) target(%dma_start3A_142 : memref<144x384xf32, #tpu.memory_space<hbm>>) target_semaphore(%arg8 : memref<!tpu.dma_semaphore, #tpu.memory_space<semaphore_mem>>)
    %dma_wait3A_143 = arith.constant 0 : i32
    %dma_wait3A_144 = tpu.memref_slice %arg3[%add3A_138, %dma_wait3A_143] : memref<73728x384xf32, #tpu.memory_space<hbm>> -> memref<144x384xf32, #tpu.memory_space<hbm>>
    %dma_wait3A_145 = arith.constant 0 : i32
    %dma_wait3A_146 = tpu.memref_slice %arg3[%add3A_138, %dma_wait3A_145] : memref<73728x384xf32, #tpu.memory_space<hbm>> -> memref<144x384xf32, #tpu.memory_space<hbm>>
    tpu.wait_dma2 semaphore(%arg8 : memref<!tpu.dma_semaphore, #tpu.memory_space<semaphore_mem>>) src(%arg4 : memref<144x384xf32, #tpu.memory_space<vmem>>) dst(%dma_wait3A_146 : memref<144x384xf32, #tpu.memory_space<hbm>>)
    %add3A_147 = arith.constant 1152 : i32
    %add3A_148 = arith.addi %multiple_of3A, %add3A_147 : i32
    %dma_start3A_149 = arith.constant 0 : i32
    %dma_start3A_150 = tpu.memref_slice %arg2[%add3A_148, %dma_start3A_149] : memref<73728x384xf32, #tpu.memory_space<hbm>> -> memref<144x384xf32, #tpu.memory_space<hbm>>
    %dma_start3A_151 = arith.constant 0 : i32
    %dma_start3A_152 = tpu.memref_slice %arg2[%add3A_148, %dma_start3A_151] : memref<73728x384xf32, #tpu.memory_space<hbm>> -> memref<144x384xf32, #tpu.memory_space<hbm>>
    tpu.enqueue_dma source(%dma_start3A_152 : memref<144x384xf32, #tpu.memory_space<hbm>>) target(%arg4 : memref<144x384xf32, #tpu.memory_space<vmem>>) target_semaphore(%arg6 : memref<!tpu.dma_semaphore, #tpu.memory_space<semaphore_mem>>)
    %dma_wait3A_153 = arith.constant 0 : i32
    %dma_wait3A_154 = tpu.memref_slice %arg2[%add3A_128, %dma_wait3A_153] : memref<73728x384xf32, #tpu.memory_space<hbm>> -> memref<144x384xf32, #tpu.memory_space<hbm>>
    %dma_wait3A_155 = arith.constant 0 : i32
    %dma_wait3A_156 = tpu.memref_slice %arg2[%add3A_128, %dma_wait3A_155] : memref<73728x384xf32, #tpu.memory_space<hbm>> -> memref<144x384xf32, #tpu.memory_space<hbm>>
    tpu.wait_dma2 semaphore(%arg7 : memref<!tpu.dma_semaphore, #tpu.memory_space<semaphore_mem>>) src(%dma_wait3A_156 : memref<144x384xf32, #tpu.memory_space<hbm>>) dst(%arg5 : memref<144x384xf32, #tpu.memory_space<vmem>>)
    %add3A_157 = arith.constant 1008 : i32
    %add3A_158 = arith.addi %multiple_of3A, %add3A_157 : i32
    %dma_start3A_159 = arith.constant 0 : i32
    %dma_start3A_160 = tpu.memref_slice %arg3[%add3A_158, %dma_start3A_159] : memref<73728x384xf32, #tpu.memory_space<hbm>> -> memref<144x384xf32, #tpu.memory_space<hbm>>
    %dma_start3A_161 = arith.constant 0 : i32
    %dma_start3A_162 = tpu.memref_slice %arg3[%add3A_158, %dma_start3A_161] : memref<73728x384xf32, #tpu.memory_space<hbm>> -> memref<144x384xf32, #tpu.memory_space<hbm>>
    tpu.enqueue_dma source(%arg5 : memref<144x384xf32, #tpu.memory_space<vmem>>) target(%dma_start3A_162 : memref<144x384xf32, #tpu.memory_space<hbm>>) target_semaphore(%arg9 : memref<!tpu.dma_semaphore, #tpu.memory_space<semaphore_mem>>)
    %dma_wait3A_163 = arith.constant 0 : i32
    %dma_wait3A_164 = tpu.memref_slice %arg3[%add3A_158, %dma_wait3A_163] : memref<73728x384xf32, #tpu.memory_space<hbm>> -> memref<144x384xf32, #tpu.memory_space<hbm>>
    %dma_wait3A_165 = arith.constant 0 : i32
    %dma_wait3A_166 = tpu.memref_slice %arg3[%add3A_158, %dma_wait3A_165] : memref<73728x384xf32, #tpu.memory_space<hbm>> -> memref<144x384xf32, #tpu.memory_space<hbm>>
    tpu.wait_dma2 semaphore(%arg9 : memref<!tpu.dma_semaphore, #tpu.memory_space<semaphore_mem>>) src(%arg5 : memref<144x384xf32, #tpu.memory_space<vmem>>) dst(%dma_wait3A_166 : memref<144x384xf32, #tpu.memory_space<hbm>>)
    %add3A_167 = arith.constant 1296 : i32
    %add3A_168 = arith.addi %multiple_of3A, %add3A_167 : i32
    %dma_start3A_169 = arith.constant 0 : i32
    %dma_start3A_170 = tpu.memref_slice %arg2[%add3A_168, %dma_start3A_169] : memref<73728x384xf32, #tpu.memory_space<hbm>> -> memref<144x384xf32, #tpu.memory_space<hbm>>
    %dma_start3A_171 = arith.constant 0 : i32
    %dma_start3A_172 = tpu.memref_slice %arg2[%add3A_168, %dma_start3A_171] : memref<73728x384xf32, #tpu.memory_space<hbm>> -> memref<144x384xf32, #tpu.memory_space<hbm>>
    tpu.enqueue_dma source(%dma_start3A_172 : memref<144x384xf32, #tpu.memory_space<hbm>>) target(%arg5 : memref<144x384xf32, #tpu.memory_space<vmem>>) target_semaphore(%arg7 : memref<!tpu.dma_semaphore, #tpu.memory_space<semaphore_mem>>)
    %dma_wait3A_173 = arith.constant 0 : i32
    %dma_wait3A_174 = tpu.memref_slice %arg2[%add3A_148, %dma_wait3A_173] : memref<73728x384xf32, #tpu.memory_space<hbm>> -> memref<144x384xf32, #tpu.memory_space<hbm>>
    %dma_wait3A_175 = arith.constant 0 : i32
    %dma_wait3A_176 = tpu.memref_slice %arg2[%add3A_148, %dma_wait3A_175] : memref<73728x384xf32, #tpu.memory_space<hbm>> -> memref<144x384xf32, #tpu.memory_space<hbm>>
    tpu.wait_dma2 semaphore(%arg6 : memref<!tpu.dma_semaphore, #tpu.memory_space<semaphore_mem>>) src(%dma_wait3A_176 : memref<144x384xf32, #tpu.memory_space<hbm>>) dst(%arg4 : memref<144x384xf32, #tpu.memory_space<vmem>>)
    %add3A_177 = arith.constant 1152 : i32
    %add3A_178 = arith.addi %multiple_of3A, %add3A_177 : i32
    %dma_start3A_179 = arith.constant 0 : i32
    %dma_start3A_180 = tpu.memref_slice %arg3[%add3A_178, %dma_start3A_179] : memref<73728x384xf32, #tpu.memory_space<hbm>> -> memref<144x384xf32, #tpu.memory_space<hbm>>
    %dma_start3A_181 = arith.constant 0 : i32
    %dma_start3A_182 = tpu.memref_slice %arg3[%add3A_178, %dma_start3A_181] : memref<73728x384xf32, #tpu.memory_space<hbm>> -> memref<144x384xf32, #tpu.memory_space<hbm>>
    tpu.enqueue_dma source(%arg4 : memref<144x384xf32, #tpu.memory_space<vmem>>) target(%dma_start3A_182 : memref<144x384xf32, #tpu.memory_space<hbm>>) target_semaphore(%arg8 : memref<!tpu.dma_semaphore, #tpu.memory_space<semaphore_mem>>)
    %dma_wait3A_183 = arith.constant 0 : i32
    %dma_wait3A_184 = tpu.memref_slice %arg3[%add3A_178, %dma_wait3A_183] : memref<73728x384xf32, #tpu.memory_space<hbm>> -> memref<144x384xf32, #tpu.memory_space<hbm>>
    %dma_wait3A_185 = arith.constant 0 : i32
    %dma_wait3A_186 = tpu.memref_slice %arg3[%add3A_178, %dma_wait3A_185] : memref<73728x384xf32, #tpu.memory_space<hbm>> -> memref<144x384xf32, #tpu.memory_space<hbm>>
    tpu.wait_dma2 semaphore(%arg8 : memref<!tpu.dma_semaphore, #tpu.memory_space<semaphore_mem>>) src(%arg4 : memref<144x384xf32, #tpu.memory_space<vmem>>) dst(%dma_wait3A_186 : memref<144x384xf32, #tpu.memory_space<hbm>>)
    %add3A_187 = arith.constant 1440 : i32
    %add3A_188 = arith.addi %multiple_of3A, %add3A_187 : i32
    %dma_start3A_189 = arith.constant 0 : i32
    %dma_start3A_190 = tpu.memref_slice %arg2[%add3A_188, %dma_start3A_189] : memref<73728x384xf32, #tpu.memory_space<hbm>> -> memref<144x384xf32, #tpu.memory_space<hbm>>
    %dma_start3A_191 = arith.constant 0 : i32
    %dma_start3A_192 = tpu.memref_slice %arg2[%add3A_188, %dma_start3A_191] : memref<73728x384xf32, #tpu.memory_space<hbm>> -> memref<144x384xf32, #tpu.memory_space<hbm>>
    tpu.enqueue_dma source(%dma_start3A_192 : memref<144x384xf32, #tpu.memory_space<hbm>>) target(%arg4 : memref<144x384xf32, #tpu.memory_space<vmem>>) target_semaphore(%arg6 : memref<!tpu.dma_semaphore, #tpu.memory_space<semaphore_mem>>)
    %dma_wait3A_193 = arith.constant 0 : i32
    %dma_wait3A_194 = tpu.memref_slice %arg2[%add3A_168, %dma_wait3A_193] : memref<73728x384xf32, #tpu.memory_space<hbm>> -> memref<144x384xf32, #tpu.memory_space<hbm>>
    %dma_wait3A_195 = arith.constant 0 : i32
    %dma_wait3A_196 = tpu.memref_slice %arg2[%add3A_168, %dma_wait3A_195] : memref<73728x384xf32, #tpu.memory_space<hbm>> -> memref<144x384xf32, #tpu.memory_space<hbm>>
    tpu.wait_dma2 semaphore(%arg7 : memref<!tpu.dma_semaphore, #tpu.memory_space<semaphore_mem>>) src(%dma_wait3A_196 : memref<144x384xf32, #tpu.memory_space<hbm>>) dst(%arg5 : memref<144x384xf32, #tpu.memory_space<vmem>>)
    %add3A_197 = arith.constant 1296 : i32
    %add3A_198 = arith.addi %multiple_of3A, %add3A_197 : i32
    %dma_start3A_199 = arith.constant 0 : i32
    %dma_start3A_200 = tpu.memref_slice %arg3[%add3A_198, %dma_start3A_199] : memref<73728x384xf32, #tpu.memory_space<hbm>> -> memref<144x384xf32, #tpu.memory_space<hbm>>
    %dma_start3A_201 = arith.constant 0 : i32
    %dma_start3A_202 = tpu.memref_slice %arg3[%add3A_198, %dma_start3A_201] : memref<73728x384xf32, #tpu.memory_space<hbm>> -> memref<144x384xf32, #tpu.memory_space<hbm>>
    tpu.enqueue_dma source(%arg5 : memref<144x384xf32, #tpu.memory_space<vmem>>) target(%dma_start3A_202 : memref<144x384xf32, #tpu.memory_space<hbm>>) target_semaphore(%arg9 : memref<!tpu.dma_semaphore, #tpu.memory_space<semaphore_mem>>)
    %dma_wait3A_203 = arith.constant 0 : i32
    %dma_wait3A_204 = tpu.memref_slice %arg3[%add3A_198, %dma_wait3A_203] : memref<73728x384xf32, #tpu.memory_space<hbm>> -> memref<144x384xf32, #tpu.memory_space<hbm>>
    %dma_wait3A_205 = arith.constant 0 : i32
    %dma_wait3A_206 = tpu.memref_slice %arg3[%add3A_198, %dma_wait3A_205] : memref<73728x384xf32, #tpu.memory_space<hbm>> -> memref<144x384xf32, #tpu.memory_space<hbm>>
    tpu.wait_dma2 semaphore(%arg9 : memref<!tpu.dma_semaphore, #tpu.memory_space<semaphore_mem>>) src(%arg5 : memref<144x384xf32, #tpu.memory_space<vmem>>) dst(%dma_wait3A_206 : memref<144x384xf32, #tpu.memory_space<hbm>>)
    %add3A_207 = arith.constant 1584 : i32
    %add3A_208 = arith.addi %multiple_of3A, %add3A_207 : i32
    %dma_start3A_209 = arith.constant 0 : i32
    %dma_start3A_210 = tpu.memref_slice %arg2[%add3A_208, %dma_start3A_209] : memref<73728x384xf32, #tpu.memory_space<hbm>> -> memref<144x384xf32, #tpu.memory_space<hbm>>
    %dma_start3A_211 = arith.constant 0 : i32
    %dma_start3A_212 = tpu.memref_slice %arg2[%add3A_208, %dma_start3A_211] : memref<73728x384xf32, #tpu.memory_space<hbm>> -> memref<144x384xf32, #tpu.memory_space<hbm>>
    tpu.enqueue_dma source(%dma_start3A_212 : memref<144x384xf32, #tpu.memory_space<hbm>>) target(%arg5 : memref<144x384xf32, #tpu.memory_space<vmem>>) target_semaphore(%arg7 : memref<!tpu.dma_semaphore, #tpu.memory_space<semaphore_mem>>)
    %dma_wait3A_213 = arith.constant 0 : i32
    %dma_wait3A_214 = tpu.memref_slice %arg2[%add3A_188, %dma_wait3A_213] : memref<73728x384xf32, #tpu.memory_space<hbm>> -> memref<144x384xf32, #tpu.memory_space<hbm>>
    %dma_wait3A_215 = arith.constant 0 : i32
    %dma_wait3A_216 = tpu.memref_slice %arg2[%add3A_188, %dma_wait3A_215] : memref<73728x384xf32, #tpu.memory_space<hbm>> -> memref<144x384xf32, #tpu.memory_space<hbm>>
    tpu.wait_dma2 semaphore(%arg6 : memref<!tpu.dma_semaphore, #tpu.memory_space<semaphore_mem>>) src(%dma_wait3A_216 : memref<144x384xf32, #tpu.memory_space<hbm>>) dst(%arg4 : memref<144x384xf32, #tpu.memory_space<vmem>>)
    %add3A_217 = arith.constant 1440 : i32
    %add3A_218 = arith.addi %multiple_of3A, %add3A_217 : i32
    %dma_start3A_219 = arith.constant 0 : i32
    %dma_start3A_220 = tpu.memref_slice %arg3[%add3A_218, %dma_start3A_219] : memref<73728x384xf32, #tpu.memory_space<hbm>> -> memref<144x384xf32, #tpu.memory_space<hbm>>
    %dma_start3A_221 = arith.constant 0 : i32
    %dma_start3A_222 = tpu.memref_slice %arg3[%add3A_218, %dma_start3A_221] : memref<73728x384xf32, #tpu.memory_space<hbm>> -> memref<144x384xf32, #tpu.memory_space<hbm>>
    tpu.enqueue_dma source(%arg4 : memref<144x384xf32, #tpu.memory_space<vmem>>) target(%dma_start3A_222 : memref<144x384xf32, #tpu.memory_space<hbm>>) target_semaphore(%arg8 : memref<!tpu.dma_semaphore, #tpu.memory_space<semaphore_mem>>)
    %dma_wait3A_223 = arith.constant 0 : i32
    %dma_wait3A_224 = tpu.memref_slice %arg3[%add3A_218, %dma_wait3A_223] : memref<73728x384xf32, #tpu.memory_space<hbm>> -> memref<144x384xf32, #tpu.memory_space<hbm>>
    %dma_wait3A_225 = arith.constant 0 : i32
    %dma_wait3A_226 = tpu.memref_slice %arg3[%add3A_218, %dma_wait3A_225] : memref<73728x384xf32, #tpu.memory_space<hbm>> -> memref<144x384xf32, #tpu.memory_space<hbm>>
    tpu.wait_dma2 semaphore(%arg8 : memref<!tpu.dma_semaphore, #tpu.memory_space<semaphore_mem>>) src(%arg4 : memref<144x384xf32, #tpu.memory_space<vmem>>) dst(%dma_wait3A_226 : memref<144x384xf32, #tpu.memory_space<hbm>>)
    %add3A_227 = arith.constant 1728 : i32
    %add3A_228 = arith.addi %multiple_of3A, %add3A_227 : i32
    %dma_start3A_229 = arith.constant 0 : i32
    %dma_start3A_230 = tpu.memref_slice %arg2[%add3A_228, %dma_start3A_229] : memref<73728x384xf32, #tpu.memory_space<hbm>> -> memref<144x384xf32, #tpu.memory_space<hbm>>
    %dma_start3A_231 = arith.constant 0 : i32
    %dma_start3A_232 = tpu.memref_slice %arg2[%add3A_228, %dma_start3A_231] : memref<73728x384xf32, #tpu.memory_space<hbm>> -> memref<144x384xf32, #tpu.memory_space<hbm>>
    tpu.enqueue_dma source(%dma_start3A_232 : memref<144x384xf32, #tpu.memory_space<hbm>>) target(%arg4 : memref<144x384xf32, #tpu.memory_space<vmem>>) target_semaphore(%arg6 : memref<!tpu.dma_semaphore, #tpu.memory_space<semaphore_mem>>)
    %dma_wait3A_233 = arith.constant 0 : i32
    %dma_wait3A_234 = tpu.memref_slice %arg2[%add3A_208, %dma_wait3A_233] : memref<73728x384xf32, #tpu.memory_space<hbm>> -> memref<144x384xf32, #tpu.memory_space<hbm>>
    %dma_wait3A_235 = arith.constant 0 : i32
    %dma_wait3A_236 = tpu.memref_slice %arg2[%add3A_208, %dma_wait3A_235] : memref<73728x384xf32, #tpu.memory_space<hbm>> -> memref<144x384xf32, #tpu.memory_space<hbm>>
    tpu.wait_dma2 semaphore(%arg7 : memref<!tpu.dma_semaphore, #tpu.memory_space<semaphore_mem>>) src(%dma_wait3A_236 : memref<144x384xf32, #tpu.memory_space<hbm>>) dst(%arg5 : memref<144x384xf32, #tpu.memory_space<vmem>>)
    %add3A_237 = arith.constant 1584 : i32
    %add3A_238 = arith.addi %multiple_of3A, %add3A_237 : i32
    %dma_start3A_239 = arith.constant 0 : i32
    %dma_start3A_240 = tpu.memref_slice %arg3[%add3A_238, %dma_start3A_239] : memref<73728x384xf32, #tpu.memory_space<hbm>> -> memref<144x384xf32, #tpu.memory_space<hbm>>
    %dma_start3A_241 = arith.constant 0 : i32
    %dma_start3A_242 = tpu.memref_slice %arg3[%add3A_238, %dma_start3A_241] : memref<73728x384xf32, #tpu.memory_space<hbm>> -> memref<144x384xf32, #tpu.memory_space<hbm>>
    tpu.enqueue_dma source(%arg5 : memref<144x384xf32, #tpu.memory_space<vmem>>) target(%dma_start3A_242 : memref<144x384xf32, #tpu.memory_space<hbm>>) target_semaphore(%arg9 : memref<!tpu.dma_semaphore, #tpu.memory_space<semaphore_mem>>)
    %dma_wait3A_243 = arith.constant 0 : i32
    %dma_wait3A_244 = tpu.memref_slice %arg3[%add3A_238, %dma_wait3A_243] : memref<73728x384xf32, #tpu.memory_space<hbm>> -> memref<144x384xf32, #tpu.memory_space<hbm>>
    %dma_wait3A_245 = arith.constant 0 : i32
    %dma_wait3A_246 = tpu.memref_slice %arg3[%add3A_238, %dma_wait3A_245] : memref<73728x384xf32, #tpu.memory_space<hbm>> -> memref<144x384xf32, #tpu.memory_space<hbm>>
    tpu.wait_dma2 semaphore(%arg9 : memref<!tpu.dma_semaphore, #tpu.memory_space<semaphore_mem>>) src(%arg5 : memref<144x384xf32, #tpu.memory_space<vmem>>) dst(%dma_wait3A_246 : memref<144x384xf32, #tpu.memory_space<hbm>>)
    %add3A_247 = arith.constant 1872 : i32
    %add3A_248 = arith.addi %multiple_of3A, %add3A_247 : i32
    %dma_start3A_249 = arith.constant 0 : i32
    %dma_start3A_250 = tpu.memref_slice %arg2[%add3A_248, %dma_start3A_249] : memref<73728x384xf32, #tpu.memory_space<hbm>> -> memref<144x384xf32, #tpu.memory_space<hbm>>
    %dma_start3A_251 = arith.constant 0 : i32
    %dma_start3A_252 = tpu.memref_slice %arg2[%add3A_248, %dma_start3A_251] : memref<73728x384xf32, #tpu.memory_space<hbm>> -> memref<144x384xf32, #tpu.memory_space<hbm>>
    tpu.enqueue_dma source(%dma_start3A_252 : memref<144x384xf32, #tpu.memory_space<hbm>>) target(%arg5 : memref<144x384xf32, #tpu.memory_space<vmem>>) target_semaphore(%arg7 : memref<!tpu.dma_semaphore, #tpu.memory_space<semaphore_mem>>)
    %dma_wait3A_253 = arith.constant 0 : i32
    %dma_wait3A_254 = tpu.memref_slice %arg2[%add3A_228, %dma_wait3A_253] : memref<73728x384xf32, #tpu.memory_space<hbm>> -> memref<144x384xf32, #tpu.memory_space<hbm>>
    %dma_wait3A_255 = arith.constant 0 : i32
    %dma_wait3A_256 = tpu.memref_slice %arg2[%add3A_228, %dma_wait3A_255] : memref<73728x384xf32, #tpu.memory_space<hbm>> -> memref<144x384xf32, #tpu.memory_space<hbm>>
    tpu.wait_dma2 semaphore(%arg6 : memref<!tpu.dma_semaphore, #tpu.memory_space<semaphore_mem>>) src(%dma_wait3A_256 : memref<144x384xf32, #tpu.memory_space<hbm>>) dst(%arg4 : memref<144x384xf32, #tpu.memory_space<vmem>>)
    %add3A_257 = arith.constant 1728 : i32
    %add3A_258 = arith.addi %multiple_of3A, %add3A_257 : i32
    %dma_start3A_259 = arith.constant 0 : i32
    %dma_start3A_260 = tpu.memref_slice %arg3[%add3A_258, %dma_start3A_259] : memref<73728x384xf32, #tpu.memory_space<hbm>> -> memref<144x384xf32, #tpu.memory_space<hbm>>
    %dma_start3A_261 = arith.constant 0 : i32
    %dma_start3A_262 = tpu.memref_slice %arg3[%add3A_258, %dma_start3A_261] : memref<73728x384xf32, #tpu.memory_space<hbm>> -> memref<144x384xf32, #tpu.memory_space<hbm>>
    tpu.enqueue_dma source(%arg4 : memref<144x384xf32, #tpu.memory_space<vmem>>) target(%dma_start3A_262 : memref<144x384xf32, #tpu.memory_space<hbm>>) target_semaphore(%arg8 : memref<!tpu.dma_semaphore, #tpu.memory_space<semaphore_mem>>)
    %dma_wait3A_263 = arith.constant 0 : i32
    %dma_wait3A_264 = tpu.memref_slice %arg3[%add3A_258, %dma_wait3A_263] : memref<73728x384xf32, #tpu.memory_space<hbm>> -> memref<144x384xf32, #tpu.memory_space<hbm>>
    %dma_wait3A_265 = arith.constant 0 : i32
    %dma_wait3A_266 = tpu.memref_slice %arg3[%add3A_258, %dma_wait3A_265] : memref<73728x384xf32, #tpu.memory_space<hbm>> -> memref<144x384xf32, #tpu.memory_space<hbm>>
    tpu.wait_dma2 semaphore(%arg8 : memref<!tpu.dma_semaphore, #tpu.memory_space<semaphore_mem>>) src(%arg4 : memref<144x384xf32, #tpu.memory_space<vmem>>) dst(%dma_wait3A_266 : memref<144x384xf32, #tpu.memory_space<hbm>>)
    %add3A_267 = arith.constant 2016 : i32
    %add3A_268 = arith.addi %multiple_of3A, %add3A_267 : i32
    %dma_start3A_269 = arith.constant 0 : i32
    %dma_start3A_270 = tpu.memref_slice %arg2[%add3A_268, %dma_start3A_269] : memref<73728x384xf32, #tpu.memory_space<hbm>> -> memref<144x384xf32, #tpu.memory_space<hbm>>
    %dma_start3A_271 = arith.constant 0 : i32
    %dma_start3A_272 = tpu.memref_slice %arg2[%add3A_268, %dma_start3A_271] : memref<73728x384xf32, #tpu.memory_space<hbm>> -> memref<144x384xf32, #tpu.memory_space<hbm>>
    tpu.enqueue_dma source(%dma_start3A_272 : memref<144x384xf32, #tpu.memory_space<hbm>>) target(%arg4 : memref<144x384xf32, #tpu.memory_space<vmem>>) target_semaphore(%arg6 : memref<!tpu.dma_semaphore, #tpu.memory_space<semaphore_mem>>)
    %dma_wait3A_273 = arith.constant 0 : i32
    %dma_wait3A_274 = tpu.memref_slice %arg2[%add3A_248, %dma_wait3A_273] : memref<73728x384xf32, #tpu.memory_space<hbm>> -> memref<144x384xf32, #tpu.memory_space<hbm>>
    %dma_wait3A_275 = arith.constant 0 : i32
    %dma_wait3A_276 = tpu.memref_slice %arg2[%add3A_248, %dma_wait3A_275] : memref<73728x384xf32, #tpu.memory_space<hbm>> -> memref<144x384xf32, #tpu.memory_space<hbm>>
    tpu.wait_dma2 semaphore(%arg7 : memref<!tpu.dma_semaphore, #tpu.memory_space<semaphore_mem>>) src(%dma_wait3A_276 : memref<144x384xf32, #tpu.memory_space<hbm>>) dst(%arg5 : memref<144x384xf32, #tpu.memory_space<vmem>>)
    %add3A_277 = arith.constant 1872 : i32
    %add3A_278 = arith.addi %multiple_of3A, %add3A_277 : i32
    %dma_start3A_279 = arith.constant 0 : i32
    %dma_start3A_280 = tpu.memref_slice %arg3[%add3A_278, %dma_start3A_279] : memref<73728x384xf32, #tpu.memory_space<hbm>> -> memref<144x384xf32, #tpu.memory_space<hbm>>
    %dma_start3A_281 = arith.constant 0 : i32
    %dma_start3A_282 = tpu.memref_slice %arg3[%add3A_278, %dma_start3A_281] : memref<73728x384xf32, #tpu.memory_space<hbm>> -> memref<144x384xf32, #tpu.memory_space<hbm>>
    tpu.enqueue_dma source(%arg5 : memref<144x384xf32, #tpu.memory_space<vmem>>) target(%dma_start3A_282 : memref<144x384xf32, #tpu.memory_space<hbm>>) target_semaphore(%arg9 : memref<!tpu.dma_semaphore, #tpu.memory_space<semaphore_mem>>)
    %dma_wait3A_283 = arith.constant 0 : i32
    %dma_wait3A_284 = tpu.memref_slice %arg3[%add3A_278, %dma_wait3A_283] : memref<73728x384xf32, #tpu.memory_space<hbm>> -> memref<144x384xf32, #tpu.memory_space<hbm>>
    %dma_wait3A_285 = arith.constant 0 : i32
    %dma_wait3A_286 = tpu.memref_slice %arg3[%add3A_278, %dma_wait3A_285] : memref<73728x384xf32, #tpu.memory_space<hbm>> -> memref<144x384xf32, #tpu.memory_space<hbm>>
    tpu.wait_dma2 semaphore(%arg9 : memref<!tpu.dma_semaphore, #tpu.memory_space<semaphore_mem>>) src(%arg5 : memref<144x384xf32, #tpu.memory_space<vmem>>) dst(%dma_wait3A_286 : memref<144x384xf32, #tpu.memory_space<hbm>>)
    %add3A_287 = arith.constant 2160 : i32
    %add3A_288 = arith.addi %multiple_of3A, %add3A_287 : i32
    %dma_start3A_289 = arith.constant 0 : i32
    %dma_start3A_290 = tpu.memref_slice %arg2[%add3A_288, %dma_start3A_289] : memref<73728x384xf32, #tpu.memory_space<hbm>> -> memref<144x384xf32, #tpu.memory_space<hbm>>
    %dma_start3A_291 = arith.constant 0 : i32
    %dma_start3A_292 = tpu.memref_slice %arg2[%add3A_288, %dma_start3A_291] : memref<73728x384xf32, #tpu.memory_space<hbm>> -> memref<144x384xf32, #tpu.memory_space<hbm>>
    tpu.enqueue_dma source(%dma_start3A_292 : memref<144x384xf32, #tpu.memory_space<hbm>>) target(%arg5 : memref<144x384xf32, #tpu.memory_space<vmem>>) target_semaphore(%arg7 : memref<!tpu.dma_semaphore, #tpu.memory_space<semaphore_mem>>)
    %dma_wait3A_293 = arith.constant 0 : i32
    %dma_wait3A_294 = tpu.memref_slice %arg2[%add3A_268, %dma_wait3A_293] : memref<73728x384xf32, #tpu.memory_space<hbm>> -> memref<144x384xf32, #tpu.memory_space<hbm>>
    %dma_wait3A_295 = arith.constant 0 : i32
    %dma_wait3A_296 = tpu.memref_slice %arg2[%add3A_268, %dma_wait3A_295] : memref<73728x384xf32, #tpu.memory_space<hbm>> -> memref<144x384xf32, #tpu.memory_space<hbm>>
    tpu.wait_dma2 semaphore(%arg6 : memref<!tpu.dma_semaphore, #tpu.memory_space<semaphore_mem>>) src(%dma_wait3A_296 : memref<144x384xf32, #tpu.memory_space<hbm>>) dst(%arg4 : memref<144x384xf32, #tpu.memory_space<vmem>>)
    %add3A_297 = arith.constant 2016 : i32
    %add3A_298 = arith.addi %multiple_of3A, %add3A_297 : i32
    %dma_start3A_299 = arith.constant 0 : i32
    %dma_start3A_300 = tpu.memref_slice %arg3[%add3A_298, %dma_start3A_299] : memref<73728x384xf32, #tpu.memory_space<hbm>> -> memref<144x384xf32, #tpu.memory_space<hbm>>
    %dma_start3A_301 = arith.constant 0 : i32
    %dma_start3A_302 = tpu.memref_slice %arg3[%add3A_298, %dma_start3A_301] : memref<73728x384xf32, #tpu.memory_space<hbm>> -> memref<144x384xf32, #tpu.memory_space<hbm>>
    tpu.enqueue_dma source(%arg4 : memref<144x384xf32, #tpu.memory_space<vmem>>) target(%dma_start3A_302 : memref<144x384xf32, #tpu.memory_space<hbm>>) target_semaphore(%arg8 : memref<!tpu.dma_semaphore, #tpu.memory_space<semaphore_mem>>)
    %dma_wait3A_303 = arith.constant 0 : i32
    %dma_wait3A_304 = tpu.memref_slice %arg2[%add3A_288, %dma_wait3A_303] : memref<73728x384xf32, #tpu.memory_space<hbm>> -> memref<144x384xf32, #tpu.memory_space<hbm>>
    %dma_wait3A_305 = arith.constant 0 : i32
    %dma_wait3A_306 = tpu.memref_slice %arg2[%add3A_288, %dma_wait3A_305] : memref<73728x384xf32, #tpu.memory_space<hbm>> -> memref<144x384xf32, #tpu.memory_space<hbm>>
    tpu.wait_dma2 semaphore(%arg7 : memref<!tpu.dma_semaphore, #tpu.memory_space<semaphore_mem>>) src(%dma_wait3A_306 : memref<144x384xf32, #tpu.memory_space<hbm>>) dst(%arg5 : memref<144x384xf32, #tpu.memory_space<vmem>>)
    %add3A_307 = arith.constant 2160 : i32
    %add3A_308 = arith.addi %multiple_of3A, %add3A_307 : i32
    %dma_start3A_309 = arith.constant 0 : i32
    %dma_start3A_310 = tpu.memref_slice %arg3[%add3A_308, %dma_start3A_309] : memref<73728x384xf32, #tpu.memory_space<hbm>> -> memref<144x384xf32, #tpu.memory_space<hbm>>
    %dma_start3A_311 = arith.constant 0 : i32
    %dma_start3A_312 = tpu.memref_slice %arg3[%add3A_308, %dma_start3A_311] : memref<73728x384xf32, #tpu.memory_space<hbm>> -> memref<144x384xf32, #tpu.memory_space<hbm>>
    tpu.enqueue_dma source(%arg5 : memref<144x384xf32, #tpu.memory_space<vmem>>) target(%dma_start3A_312 : memref<144x384xf32, #tpu.memory_space<hbm>>) target_semaphore(%arg9 : memref<!tpu.dma_semaphore, #tpu.memory_space<semaphore_mem>>)
    %dma_wait3A_313 = arith.constant 0 : i32
    %dma_wait3A_314 = tpu.memref_slice %arg3[%add3A_298, %dma_wait3A_313] : memref<73728x384xf32, #tpu.memory_space<hbm>> -> memref<144x384xf32, #tpu.memory_space<hbm>>
    %dma_wait3A_315 = arith.constant 0 : i32
    %dma_wait3A_316 = tpu.memref_slice %arg3[%add3A_298, %dma_wait3A_315] : memref<73728x384xf32, #tpu.memory_space<hbm>> -> memref<144x384xf32, #tpu.memory_space<hbm>>
    tpu.wait_dma2 semaphore(%arg8 : memref<!tpu.dma_semaphore, #tpu.memory_space<semaphore_mem>>) src(%arg4 : memref<144x384xf32, #tpu.memory_space<vmem>>) dst(%dma_wait3A_316 : memref<144x384xf32, #tpu.memory_space<hbm>>)
    %dma_wait3A_317 = arith.constant 0 : i32
    %dma_wait3A_318 = tpu.memref_slice %arg3[%add3A_308, %dma_wait3A_317] : memref<73728x384xf32, #tpu.memory_space<hbm>> -> memref<144x384xf32, #tpu.memory_space<hbm>>
    %dma_wait3A_319 = arith.constant 0 : i32
    %dma_wait3A_320 = tpu.memref_slice %arg3[%add3A_308, %dma_wait3A_319] : memref<73728x384xf32, #tpu.memory_space<hbm>> -> memref<144x384xf32, #tpu.memory_space<hbm>>
    tpu.wait_dma2 semaphore(%arg9 : memref<!tpu.dma_semaphore, #tpu.memory_space<semaphore_mem>>) src(%arg5 : memref<144x384xf32, #tpu.memory_space<vmem>>) dst(%dma_wait3A_320 : memref<144x384xf32, #tpu.memory_space<hbm>>)
    return
  }
}

</mosaic_0001>

<sc_bundles>
// kernel: kernel.3.cloned.1.call-start
scs
__scs_entry_jumppad:
0x0: {  	(pc) =	sbr.rel $0x88, $3  }
0x1: {  	(tag) =	ssettag $0x0;
	lr =	simm.s32 $0x1  }
0x2: {  	[smem:$0x3FA0] =	sst lr;
	_ =	strace $0xD0000000  }
0x3: {  	_ = 	snop  }
0x4: {  	_ = 	snop  }
0x5: {  	_ = 	snop  }
0x6: {  	_ = 	snop  }
0x7: {  	_ = 	snop  }
__scs_overlays_trampoline_lowered:
0x8: {  	[smem:$0x3FAF] =	sst s0  }
0x9: {  	[smem:$0x3FB0] =	sst s1  }
0xa: {  	[smem:$0x3FB1] =	sst s2  }
0xb: {  	[smem:$0x3FB2] =	sst s3  }
0xc: {  	[smem:$0x3FB3] =	sst s4  }
0xd: {  	[smem:$0x3FB4] =	sst s5  }
0xe: {  	[smem:$0x3FB5] =	sst s6  }
0xf: {  	[smem:$0x3FB6] =	sst s7  }
0x10: {  	[smem:$0x3FB7] =	sst s8  }
0x11: {  	[smem:$0x3FB8] =	sst s9;
	s0 =	simm.s32 @!p0 $0x0  }
0x12: {  	s1 =	sld [smem:$0x3F9E];
	s0 =	simm.s32 @p0 $0x1  }
0x13: {  	[smem:$0x3FB9] =	sst s0;
	s0 =	simm.s32 @!p1 $0x0  }
0x14: {  	s2 =	sld [smem:$0x3F9D];
	s0 =	simm.s32 @p1 $0x1  }
0x15: {  	[smem:$0x3FBA] =	sst s0;
	s0 =	simm.s32 @!p2 $0x0  }
0x16: {  	s3 =	sld [smem:$0x3FDB];
	s0 =	simm.s32 @p2 $0x1  }
0x17: {  	s4 =	simm.s32 $0x1BF5;
	[smem:$0x3FBC] =	sst s0  }
0x18: {  	s0 =	sld [smem:$0x3F9F];
	_ =	swait.ge [sflag:s4], $0x0  }
0x19: {  	s7 =	sld [smem:$0x3FA0]  }
0x1a: {  	s8 =	sadd.s32 $0xFFFFE003, lr  }
0x1b: {  	s9 =	sadd.s32 $0xFFFFFEF7, lr;
	s5 =	simm.s32 $0xFFFFFFFF;
	p2 =	slt.u32 s8, $0xFFFFF086  }
0x1c: {  	p1 =	slt.u32 s9, $0xF7A;
	s5 =	simm.s32 @!p2 $0x0  }
0x1d: {  	s5 =	simm.s32 @p1 $0x1;
	p0 =	seq.s32 s7, s2  }
0x1e: {  	s7 =	smul.u32 @!p0 $0xF7A, s2;
	p2 =	seq.s32 @!p0 s5, $0x0  }
0x1f: {  	s9 =	smul.u32 $0xF7A, s1;
	s8 =	simm.s32 @!p0 $0x1BF5;
	p2 =	por !p2, p0  }
0x20: {  	[sflag:s8] =	ssyncset.s32 @!p0 $0xFFFFF086;
	s6 =	sadd.s32 @!p0 s3, s7;
	s7 =	simm.s32 @!p0 $0x108  }
0x21: {  	s3 =	sadd.s32 s3, s9;
	s6 =	sadd.s32 @!p0 $0x88, s6;
	s7 =	simm.s32 @p2 $0x1082  }
0x22: {  	[simem:s7], [sflag:s8] =	dma.local @!p0 [hbm:s6], $0xF7A  }
0x23: {  	s9 =	sor.u32 $0xD0000000, s2;
	s6 =	simm.s32 $0x108;
	_ =	swait.ge @!p0 [sflag:s8], $0x0  }
0x24: {  	s3 =	sadd.s32 $0x88, s3;
	s6 =	simm.s32 @!p1 $0x1082;
	[sflag:s4] =	ssyncset.s32 $0xFFFFF086  }
0x25: {  	[simem:s6], [sflag:s4] =	dma.local [hbm:s3], $0xF7A  }
0x26: {  	[smem:$0x3FA0] =	sst s1;
	(tag) =	ssettag s2;
	_ =	strace s9  }
0x27: {  	s1 =	sld [smem:$0x3FB0]  }
0x28: {  	s2 =	sld [smem:$0x3FB1]  }
0x29: {  	s4 =	sld [smem:$0x3FB3]  }
0x2a: {  	p0 =	seq.s32 s5, $0x0;
	s5 =	sld [smem:$0x3FB4]  }
0x2b: {  	s6 =	sld [smem:$0x3FB5]  }
0x2c: {  	s7 =	sld [smem:$0x3FB6]  }
0x2d: {  	s3 =	simm.s32 $0x108;
	s8 =	sld [smem:$0x3FB7]  }
0x2e: {  	s3 =	simm.s32 @!p0 $0x1082;
	s9 =	sld [smem:$0x3FB8]  }
0x2f: {  	lr =	sadd.s32 s0, s3;
	s0 =	sld [smem:$0x3FAF]  }
0x30: {  	s3 =	sld [smem:$0x3FB2]  }
0x31: {  	[smem:$0x3FBB] =	sst s10  }
0x32: {  	s10 =	sld [smem:$0x3FB9];
	_ =	sdelay $0x3  }
0x33: {  	p0 =	seq.s32 s10, $0x1;
	s10 =	sld [smem:$0x3FBB];
	_ =	sdelay $0x3  }
0x34: {  	[smem:$0x3FBB] =	sst s10  }
0x35: {  	s10 =	sld [smem:$0x3FBA];
	_ =	sdelay $0x3  }
0x36: {  	p1 =	seq.s32 s10, $0x1;
	s10 =	sld [smem:$0x3FBB];
	_ =	sdelay $0x3  }
0x37: {  	[smem:$0x3FBB] =	sst s10  }
0x38: {  	s10 =	sld [smem:$0x3FBC]  }
0x39: {  	_ = 	snop;
	(pc) =	sbr.ind lr, $3  }
0x3a: {  	_ = 	snop  }
0x3b: {  	_ = 	snop  }
0x3c: {  	p2 =	seq.s32 s10, $0x1;
	s10 =	sld [smem:$0x3FBB]  }
0x3d: {  	_ =	shalt  }
0x3e: {  	_ =	shalt  }
0x3f: {  	_ =	shalt  }
0x40: {  	_ =	shalt  }
0x41: {  	_ =	shalt  }
0x42: {  	_ =	shalt  }
0x43: {  	_ =	shalt  }
0x44: {  	_ =	shalt  }
0x45: {  	_ =	shalt  }
0x46: {  	_ =	shalt  }
0x47: {  	_ =	shalt  }
0x48: {  	_ =	shalt  }
0x49: {  	_ =	shalt  }
0x4a: {  	_ =	shalt  }
0x4b: {  	_ =	shalt  }
0x4c: {  	_ =	shalt  }
0x4d: {  	_ =	shalt  }
0x4e: {  	_ =	shalt  }
0x4f: {  	_ =	shalt  }
0x50: {  	_ =	shalt  }
0x51: {  	_ =	shalt  }
0x52: {  	_ =	shalt  }
0x53: {  	_ =	shalt  }
0x54: {  	_ =	shalt  }
0x55: {  	_ =	shalt  }
0x56: {  	_ =	shalt  }
0x57: {  	_ =	shalt  }
0x58: {  	_ =	shalt  }
0x59: {  	_ =	shalt  }
0x5a: {  	_ =	shalt  }
0x5b: {  	_ =	shalt  }
0x5c: {  	_ =	shalt  }
0x5d: {  	_ =	shalt  }
0x5e: {  	_ =	shalt  }
0x5f: {  	_ =	shalt  }
0x60: {  	_ =	shalt  }
0x61: {  	_ =	shalt  }
0x62: {  	_ =	shalt  }
0x63: {  	_ =	shalt  }
0x64: {  	_ =	shalt  }
0x65: {  	_ =	shalt  }
0x66: {  	_ =	shalt  }
0x67: {  	_ =	shalt  }
0x68: {  	_ =	shalt  }
0x69: {  	_ =	shalt  }
0x6a: {  	_ =	shalt  }
0x6b: {  	_ =	shalt  }
0x6c: {  	_ =	shalt  }
0x6d: {  	_ =	shalt  }
0x6e: {  	_ =	shalt  }
0x6f: {  	_ =	shalt  }
0x70: {  	_ =	shalt  }
0x71: {  	_ =	shalt  }
0x72: {  	_ =	shalt  }
0x73: {  	_ =	shalt  }
0x74: {  	_ =	shalt  }
0x75: {  	_ =	shalt  }
0x76: {  	_ =	shalt  }
0x77: {  	_ =	shalt  }
0x78: {  	_ =	shalt  }
0x79: {  	_ =	shalt  }
0x7a: {  	_ =	shalt  }
0x7b: {  	_ =	shalt  }
0x7c: {  	_ =	shalt  }
0x7d: {  	_ =	shalt  }
0x7e: {  	_ =	shalt  }
0x7f: {  	_ =	shalt  }
0x80: {  	_ =	shalt  }
0x81: {  	_ =	shalt  }
0x82: {  	_ =	shalt  }
0x83: {  	_ =	shalt  }
0x84: {  	_ =	shalt  }
0x85: {  	_ =	shalt  }
0x86: {  	_ =	shalt  }
0x87: {  	_ =	shalt  }
.Lfunc_end0:
.L_simem_size_0:
called_computation_lowered:
.L_overlay_start_0:
0x88: {  	s2 =	sld [smem:$0x3FD9]  }
0x89: {  	s3 =	sld [smem:$0x3FFE];
	_ =	sdelay $0x1  }
0x8a: {  	s1 =	srdreg.scid  }
0x8b: {  	s0 =	sand.u32 $0x1, s1  }
0x8c: {  	s18 =	sshll.u32 s0, $0xA;
	s2 =	sadd.s32 s3, s2  }
0x8d: {  	s2 =	sadd.s32 s2, s18  }
0x8e: {  	[smem:$0x3FC7] =	sst s2  }
0x8f: {  	_ = 	snop  }
0x90: {  	s2 =	sld [smem:$0x3FC9]  }
0x91: {  	s19 =	sld [smem:$0x3FD0];
	(tm) =	ssettm $0x1  }
0x92: {  	s4 =	sld [smem:$0x3FFB];
	_ =	sdelay $0x3  }
0x93: {  	_ =	strace s4  }
0x94: {  	s4 =	sld [smem:$0x3FFC];
	_ =	sdelay $0x3  }
0x95: {  	_ =	strace s4  }
0x96: {  	s4 =	sld [smem:$0x3FFD];
	_ =	sdelay $0x3  }
0x97: {  	_ =	strace s4  }
0x98: {  	_ =	strace $0x8FFFFFFF  }
0x99: {  	s20 =	sld [smem:$0x3FDB];
	_ =	sdelay $0x1  }
0x9a: {  	s5 =	simm.s32 $_scs_section_size  }
0x9b: {  	s6 =	simm.s32 $_size__tile_overlayer_lowered;
	s7 =	simm.s32 $_tile_overlayer_lowered  }
0x9c: {  	s23 =	simm.s32 $0x1BFF;
	s22 =	sshll.u32 s7, $0x1;
	s4 =	sadd.s32 s5, s20  }
0x9d: {  	s8 =	simm.s32 $0x0;
	s21 =	sshll.u32 s6, $0x1;
	s6 =	sadd.s32 s22, s4  }
0x9e: {  	[timem:s8], [sflag:s23] =	dma.local [hbm:s6], s21  }
0x9f: {  	_ =	swait.ge [sflag:s23], s21  }
0xa0: {  	s5 =	ssub.s32 $0x0, s21;
	[sflag:s23] =	ssyncset.done $0x0  }
0xa1: {  	[sflag:s23] =	ssyncadd.s32 s5;
	_ =	sdelay $0x1  }
0xa2: {  	s24 =	simm.s32 $0x1B8B  }
0xa3: {  	_ =	swait.ge [sflag:s24], $0x1  }
0xa4: {  	[sflag:s24] =	ssyncset.done $0x0  }
0xa5: {  	s25 =	simm.s32 $0x1B8E;
	[sflag:s24] =	ssyncadd.s32 $0xFFFFFFFF  }
0xa6: {  	s26 =	simm.s32 $execute0_lowered;
	[smem:$0x3FD2] =	sst s25  }
0xa7: {  	s5 =	sshll.u32 s26, $0x1;
	_ =	strace $0x80000046;
	[dreg:$0x1] =	wrdreg $0xFFFFFFFF  }
0xa8: {  	s28 =	simm.s32 $_size_execute0_lowered;
	s4 =	sadd.s32 s4, s5;
	[dreg:$0x0] =	wrdreg $0x0  }
0xa9: {  	s5 =	sshll.u32 s28, $0x1;
	[dreg:$0x2] =	wrdreg s4  }
0xaa: {  	[dreg:$0x3] =	wrdreg s5  }
0xab: {  	[dreg:$0x4] =	wrdreg $0xC0  }
0xac: {  	_ =	task [dreg:s8], $0x5FFFF  }
0xad: {  	[dreg:$0x1] =	wrdreg $0xFFFFFFFF  }
0xae: {  	[dreg:$0x0] =	wrdreg $0x60  }
0xaf: {  	[dreg:$0x2] =	wrdreg s2  }
0xb0: {  	[dreg:$0x3] =	wrdreg s19  }
0xb1: {  	[dreg:$0x4] =	wrdreg $0x9  }
0xb2: {  	_ =	task.clear_ibuf [dreg:s8], $0x5FFFF;
	_ =	strace $0x90000046  }
0xb3: {  	s29 =	simm.s32 $0x9;
	_ =	strace $0x80000048  }
0xb4: {  	_ =	swait.ge [sflag:s29], $0x1  }
0xb5: {  	[sflag:s29] =	ssyncadd.s32 $0xFFFFFFFF  }
0xb6: {  	_ =	strace $0x90000048  }
0xb7: {  	_ =	sfence  }
0xb8: {  	s30 =	sld [smem:$0x0];
	_ =	sdelay $0x2  }
0xb9: {  	s31 =	sshll.u32 s1, $0xD;
	s1 =	sshrl.u32 s1, $0x2  }
0xba: {  	s3 =	sand.u32 $0x4000, s31;
	s1 =	sadd.s32 s1, s30  }
0xbb: {  	s0 =	sor.u32 s3, s0;
	s1 =	sshll.u32 s1, $0x11  }
0xbc: {  	s0 =	sor.u32 s1, s0  }
0xbd: {  	s0 =	sadd.s32 $0x8F2B, s0  }
0xbe: {  	[sflag:s0] =	ssyncadd.remote.s32 $0x1  }
0xbf: {  	_ =	sfence.sel $0xFFFF  }
0xc0: {  	[dreg:$0x0] =	wrdreg $0xFFFFFFFF;
	(pc) =	sbr.abs _section_cstart, $3  }
0xc1: {  	[dreg:$0x1] =	wrdreg $0xFFFFFFFF  }
0xc2: {  	_ =	task.clear_ibuf [dreg:s8], $0x2FFFF;
	_ =	strace $0x9FFFFFFF  }
0xc3: {  	(tm) =	ssettm $0x7FFFFFFF  }
tec
execute0_lowered:
.L_overlay_start_1:
0x0: {  	(tag) =	ssettag $0x1  }
0x1: {  	s1 =	srdreg.scid;
	s0 =	stileid.u32  }
0x2: {  	s1 =	sand.u32 $0x1, s1;
	s2 =	sshll.u32 s0, $0x1  }
0x3: {  	s2 =	sor.u32 s1, s2  }
0x4: {  	s2 =	smul.u32 $0x900, s2;
	_ =	sdelay $0x1  }
0x5: {  	s29 =	rddreg [dreg:$0x0];
	s3 =	sshrl.u32 s2, $0x3  }
0x6: {  	[dreg:$0xd] =	wrdreg s1;
	s2 =	simm.s32 $0x0;
	s30 =	smul.u32 $0x180, s3  }
0x7: {  	[smem:$0x7FF] =	sst s2  }
0x8: {  	s31 =	rddreg [dreg:$0x1];
	_ =	strace $0x80000047;
	s10 =	sadd.s32 s29, s30  }
0x9: {  	s12 =	sadd.s32 s31, s30;
	s5 =	sadd.s32 $0x3600, s30;
	[dreg:$0x3] =	wrdreg s10  }
0xa: {  	s14 =	sadd.s32 $0x5100, s30;
	[dreg:$0x5] =	wrdreg s12;
	s13 =	sadd.s32 s29, s5  }
0xb: {  	s15 =	sadd.s32 s29, s14;
	[dreg:$0x6] =	wrdreg s13  }
0xc: {  	s4 =	smul.u32 $0xC00, s3;
	s16 =	sadd.s32 s31, s5;
	[dreg:$0x8] =	wrdreg s15  }
0xd: {  	s17 =	sadd.s32 $0x6C00, s30;
	[dreg:$0x9] =	wrdreg s16  }
0xe: {  	s9 =	sshrl.u32 s4, $0x3;
	s18 =	sadd.s32 s29, s17;
	s19 =	rddreg [dreg:$0x3]  }
0xf: {  	s3 =	sadd.s32 $0x1B00, s9;
	s20 =	sadd.s32 s31, s14;
	[dreg:$0xa] =	wrdreg s18  }
0x10: {  	s11 =	sadd.s32 s29, s3;
	[dreg:$0xb] =	wrdreg s20  }
0x11: {  	s3 =	sadd.s32 s31, s3;
	[dreg:$0x4] =	wrdreg s11  }
0x12: {  	[dreg:$0x7] =	wrdreg s3  }
0x13: {  	[tilespmem:s2], [sflag:$0x1] =	stream.linear.gather [hbm4b:s19+s2], $0xD800, $0x38;
	[tilespmem:$0x1B000] =	vst v63  }
0x14: {  	s4 =	simm.s32 $0x1;
	s3 =	simm.s32 $0xD800;
	s6 =	rddreg [dreg:$0x4]  }
0x15: {  	[tilespmem:s3], [sflag:$0x2] =	stream.linear.gather [hbm4b:s6+s2], $0xD800, $0x38;
	[tilespmem:$0x1B000] =	vst v63  }
0x16: {  	_ =	swait.ge [sflag:s4], $0xD800  }
0x17: {  	[sflag:s4] =	ssyncset.done $0x0  }
0x18: {  	s5 =	simm.s32 $0x3;
	s21 =	rddreg [dreg:$0x5];
	[sflag:s4] =	ssyncadd.s32 $0xFFFF2800  }
0x19: {  	[hbm4b:s21+s2] =	stream.linear.scatter [tilespmem:s2], [sflag:$0x3], $0xD800, $0x38;
	[tilespmem:$0x1B000] =	vst v63  }
0x1a: {  	_ =	swait.ge [sflag:s5], $0xD800  }
0x1b: {  	[sflag:s5] =	ssyncset.done $0x0  }
0x1c: {  	s6 =	simm.s32 $0x2;
	s7 =	rddreg [dreg:$0x6];
	[sflag:s5] =	ssyncadd.s32 $0xFFFF2800  }
0x1d: {  	[tilespmem:s2], [sflag:$0x1] =	stream.linear.gather [hbm4b:s7+s2], $0xD800, $0x38;
	[tilespmem:$0x1B000] =	vst v63  }
0x1e: {  	_ =	swait.ge [sflag:s6], $0xD800  }
0x1f: {  	[sflag:s6] =	ssyncset.done $0x0  }
0x20: {  	s7 =	simm.s32 $0x4;
	s8 =	rddreg [dreg:$0x7];
	[sflag:s6] =	ssyncadd.s32 $0xFFFF2800  }
0x21: {  	[hbm4b:s8+s2] =	stream.linear.scatter [tilespmem:s3], [sflag:$0x4], $0xD800, $0x38;
	[tilespmem:$0x1B000] =	vst v63  }
0x22: {  	_ =	swait.ge [sflag:s7], $0xD800  }
0x23: {  	[sflag:s7] =	ssyncset.done $0x0  }
0x24: {  	s22 =	rddreg [dreg:$0x8];
	[sflag:s7] =	ssyncadd.s32 $0xFFFF2800  }
0x25: {  	[tilespmem:s3], [sflag:$0x2] =	stream.linear.gather [hbm4b:s22+s2], $0xD800, $0x38;
	[tilespmem:$0x1B000] =	vst v63  }
0x26: {  	_ =	swait.ge [sflag:s4], $0xD800  }
0x27: {  	[sflag:s4] =	ssyncset.done $0x0  }
0x28: {  	s23 =	rddreg [dreg:$0x9];
	[sflag:s4] =	ssyncadd.s32 $0xFFFF2800  }
0x29: {  	[hbm4b:s23+s2] =	stream.linear.scatter [tilespmem:s2], [sflag:$0x3], $0xD800, $0x38;
	[tilespmem:$0x1B000] =	vst v63  }
0x2a: {  	_ =	swait.ge [sflag:s5], $0xD800  }
0x2b: {  	[sflag:s5] =	ssyncset.done $0x0  }
0x2c: {  	s24 =	rddreg [dreg:$0xa];
	[sflag:s5] =	ssyncadd.s32 $0xFFFF2800  }
0x2d: {  	[tilespmem:s2], [sflag:$0x1] =	stream.linear.gather [hbm4b:s24+s2], $0xD800, $0x38;
	[tilespmem:$0x1B000] =	vst v63  }
0x2e: {  	_ =	swait.ge [sflag:s6], $0xD800  }
0x2f: {  	[sflag:s6] =	ssyncset.done $0x0  }
0x30: {  	s25 =	rddreg [dreg:$0xb];
	[sflag:s6] =	ssyncadd.s32 $0xFFFF2800  }
0x31: {  	[hbm4b:s25+s2] =	stream.linear.scatter [tilespmem:s3], [sflag:$0x4], $0xD800, $0x38;
	[tilespmem:$0x1B000] =	vst v63  }
0x32: {  	s11 =	sadd.s32 $0x8700, s30;
	_ =	swait.ge [sflag:s7], $0xD800  }
0x33: {  	s26 =	sadd.s32 s29, s11;
	[sflag:s7] =	ssyncset.done $0x0  }
0x34: {  	[dreg:$0xc] =	wrdreg s26;
	[sflag:s7] =	ssyncadd.s32 $0xFFFF2800  }
0x35: {  	[tilespmem:s3], [sflag:$0x2] =	stream.linear.gather [hbm4b:s26+s2], $0xD800, $0x38;
	[tilespmem:$0x1B000] =	vst v63  }
0x36: {  	_ =	swait.ge [sflag:s4], $0xD800  }
0x37: {  	[sflag:s4] =	ssyncset.done $0x0  }
0x38: {  	s0 =	sadd.s32 s31, s17;
	[sflag:s4] =	ssyncadd.s32 $0xFFFF2800  }
0x39: {  	[hbm4b:s0+s2] =	stream.linear.scatter [tilespmem:s2], [sflag:$0x3], $0xD800, $0x38;
	[tilespmem:$0x1B000] =	vst v63  }
0x3a: {  	_ =	swait.ge [sflag:s5], $0xD800  }
0x3b: {  	s13 =	sadd.s32 $0xA200, s30;
	[sflag:s5] =	ssyncset.done $0x0  }
0x3c: {  	s10 =	sadd.s32 s29, s13;
	[sflag:s5] =	ssyncadd.s32 $0xFFFF2800  }
0x3d: {  	[tilespmem:s2], [sflag:$0x1] =	stream.linear.gather [hbm4b:s10+s2], $0xD800, $0x38;
	[tilespmem:$0x1B000] =	vst v63  }
0x3e: {  	_ =	swait.ge [sflag:s6], $0xD800  }
0x3f: {  	[sflag:s6] =	ssyncset.done $0x0  }
0x40: {  	s11 =	sadd.s32 s31, s11;
	[sflag:s6] =	ssyncadd.s32 $0xFFFF2800  }
0x41: {  	[hbm4b:s11+s2] =	stream.linear.scatter [tilespmem:s3], [sflag:$0x4], $0xD800, $0x38;
	[tilespmem:$0x1B000] =	vst v63  }
0x42: {  	_ =	swait.ge [sflag:s7], $0xD800  }
0x43: {  	s15 =	sadd.s32 $0xBD00, s30;
	[sflag:s7] =	ssyncset.done $0x0  }
0x44: {  	s12 =	sadd.s32 s29, s15;
	[sflag:s7] =	ssyncadd.s32 $0xFFFF2800  }
0x45: {  	[tilespmem:s3], [sflag:$0x2] =	stream.linear.gather [hbm4b:s12+s2], $0xD800, $0x38;
	[tilespmem:$0x1B000] =	vst v63  }
0x46: {  	_ =	swait.ge [sflag:s4], $0xD800  }
0x47: {  	[sflag:s4] =	ssyncset.done $0x0  }
0x48: {  	s13 =	sadd.s32 s31, s13;
	[sflag:s4] =	ssyncadd.s32 $0xFFFF2800  }
0x49: {  	[hbm4b:s13+s2] =	stream.linear.scatter [tilespmem:s2], [sflag:$0x3], $0xD800, $0x38;
	[tilespmem:$0x1B000] =	vst v63  }
0x4a: {  	_ =	swait.ge [sflag:s5], $0xD800  }
0x4b: {  	s17 =	sadd.s32 $0xD800, s30;
	[sflag:s5] =	ssyncset.done $0x0  }
0x4c: {  	s14 =	sadd.s32 s29, s17;
	[sflag:s5] =	ssyncadd.s32 $0xFFFF2800  }
0x4d: {  	[tilespmem:s2], [sflag:$0x1] =	stream.linear.gather [hbm4b:s14+s2], $0xD800, $0x38;
	[tilespmem:$0x1B000] =	vst v63  }
0x4e: {  	_ =	swait.ge [sflag:s6], $0xD800  }
0x4f: {  	[sflag:s6] =	ssyncset.done $0x0  }
0x50: {  	s15 =	sadd.s32 s31, s15;
	[sflag:s6] =	ssyncadd.s32 $0xFFFF2800  }
0x51: {  	[hbm4b:s15+s2] =	stream.linear.scatter [tilespmem:s3], [sflag:$0x4], $0xD800, $0x38;
	[tilespmem:$0x1B000] =	vst v63  }
0x52: {  	_ =	swait.ge [sflag:s7], $0xD800  }
0x53: {  	s19 =	sadd.s32 $0xF300, s30;
	[sflag:s7] =	ssyncset.done $0x0  }
0x54: {  	s16 =	sadd.s32 s29, s19;
	[sflag:s7] =	ssyncadd.s32 $0xFFFF2800  }
0x55: {  	[tilespmem:s3], [sflag:$0x2] =	stream.linear.gather [hbm4b:s16+s2], $0xD800, $0x38;
	[tilespmem:$0x1B000] =	vst v63  }
0x56: {  	_ =	swait.ge [sflag:s4], $0xD800  }
0x57: {  	[sflag:s4] =	ssyncset.done $0x0  }
0x58: {  	s17 =	sadd.s32 s31, s17;
	[sflag:s4] =	ssyncadd.s32 $0xFFFF2800  }
0x59: {  	[hbm4b:s17+s2] =	stream.linear.scatter [tilespmem:s2], [sflag:$0x3], $0xD800, $0x38;
	[tilespmem:$0x1B000] =	vst v63  }
0x5a: {  	_ =	swait.ge [sflag:s5], $0xD800  }
0x5b: {  	s21 =	sadd.s32 $0x10E00, s30;
	[sflag:s5] =	ssyncset.done $0x0  }
0x5c: {  	s18 =	sadd.s32 s29, s21;
	[sflag:s5] =	ssyncadd.s32 $0xFFFF2800  }
0x5d: {  	[tilespmem:s2], [sflag:$0x1] =	stream.linear.gather [hbm4b:s18+s2], $0xD800, $0x38;
	[tilespmem:$0x1B000] =	vst v63  }
0x5e: {  	_ =	swait.ge [sflag:s6], $0xD800  }
0x5f: {  	[sflag:s6] =	ssyncset.done $0x0  }
0x60: {  	s19 =	sadd.s32 s31, s19;
	[sflag:s6] =	ssyncadd.s32 $0xFFFF2800  }
0x61: {  	[hbm4b:s19+s2] =	stream.linear.scatter [tilespmem:s3], [sflag:$0x4], $0xD800, $0x38;
	[tilespmem:$0x1B000] =	vst v63  }
0x62: {  	_ =	swait.ge [sflag:s7], $0xD800  }
0x63: {  	s23 =	sadd.s32 $0x12900, s30;
	[sflag:s7] =	ssyncset.done $0x0  }
0x64: {  	s20 =	sadd.s32 s29, s23;
	[sflag:s7] =	ssyncadd.s32 $0xFFFF2800  }
0x65: {  	[tilespmem:s3], [sflag:$0x2] =	stream.linear.gather [hbm4b:s20+s2], $0xD800, $0x38;
	[tilespmem:$0x1B000] =	vst v63  }
0x66: {  	_ =	swait.ge [sflag:s4], $0xD800  }
0x67: {  	[sflag:s4] =	ssyncset.done $0x0  }
0x68: {  	s21 =	sadd.s32 s31, s21;
	[sflag:s4] =	ssyncadd.s32 $0xFFFF2800  }
0x69: {  	[hbm4b:s21+s2] =	stream.linear.scatter [tilespmem:s2], [sflag:$0x3], $0xD800, $0x38;
	[tilespmem:$0x1B000] =	vst v63  }
0x6a: {  	_ =	swait.ge [sflag:s5], $0xD800  }
0x6b: {  	s25 =	sadd.s32 $0x14400, s30;
	[sflag:s5] =	ssyncset.done $0x0  }
0x6c: {  	s22 =	sadd.s32 s29, s25;
	[sflag:s5] =	ssyncadd.s32 $0xFFFF2800  }
0x6d: {  	[tilespmem:s2], [sflag:$0x1] =	stream.linear.gather [hbm4b:s22+s2], $0xD800, $0x38;
	[tilespmem:$0x1B000] =	vst v63  }
0x6e: {  	_ =	swait.ge [sflag:s6], $0xD800  }
0x6f: {  	[sflag:s6] =	ssyncset.done $0x0  }
0x70: {  	s23 =	sadd.s32 s31, s23;
	[sflag:s6] =	ssyncadd.s32 $0xFFFF2800  }
0x71: {  	[hbm4b:s23+s2] =	stream.linear.scatter [tilespmem:s3], [sflag:$0x4], $0xD800, $0x38;
	[tilespmem:$0x1B000] =	vst v63  }
0x72: {  	_ =	swait.ge [sflag:s7], $0xD800  }
0x73: {  	s28 =	sadd.s32 $0x15F00, s30;
	[sflag:s7] =	ssyncset.done $0x0  }
0x74: {  	s24 =	sadd.s32 s29, s28;
	[sflag:s7] =	ssyncadd.s32 $0xFFFF2800  }
0x75: {  	[tilespmem:s3], [sflag:$0x2] =	stream.linear.gather [hbm4b:s24+s2], $0xD800, $0x38;
	[tilespmem:$0x1B000] =	vst v63  }
0x76: {  	_ =	swait.ge [sflag:s4], $0xD800  }
0x77: {  	[sflag:s4] =	ssyncset.done $0x0  }
0x78: {  	s25 =	sadd.s32 s31, s25;
	[sflag:s4] =	ssyncadd.s32 $0xFFFF2800  }
0x79: {  	[hbm4b:s25+s2] =	stream.linear.scatter [tilespmem:s2], [sflag:$0x3], $0xD800, $0x38;
	[tilespmem:$0x1B000] =	vst v63  }
0x7a: {  	_ =	swait.ge [sflag:s5], $0xD800  }
0x7b: {  	s9 =	smov.u32 s0;
	s0 =	sadd.s32 $0x17A00, s30;
	[sflag:s5] =	ssyncset.done $0x0  }
0x7c: {  	s26 =	sadd.s32 s29, s0;
	[sflag:s5] =	ssyncadd.s32 $0xFFFF2800  }
0x7d: {  	[tilespmem:s2], [sflag:$0x1] =	stream.linear.gather [hbm4b:s26+s2], $0xD800, $0x38;
	[tilespmem:$0x1B000] =	vst v63  }
0x7e: {  	_ =	swait.ge [sflag:s6], $0xD800  }
0x7f: {  	[sflag:s6] =	ssyncset.done $0x0  }
0x80: {  	s28 =	sadd.s32 s31, s28;
	[sflag:s6] =	ssyncadd.s32 $0xFFFF2800  }
0x81: {  	[hbm4b:s28+s2] =	stream.linear.scatter [tilespmem:s3], [sflag:$0x4], $0xD800, $0x38;
	[tilespmem:$0x1B000] =	vst v63  }
0x82: {  	_ =	swait.ge [sflag:s7], $0xD800  }
0x83: {  	s8 =	sadd.s32 $0x19500, s30;
	[sflag:s7] =	ssyncset.done $0x0  }
0x84: {  	s29 =	sadd.s32 s29, s8;
	[sflag:s7] =	ssyncadd.s32 $0xFFFF2800  }
0x85: {  	[tilespmem:s3], [sflag:$0x2] =	stream.linear.gather [hbm4b:s29+s2], $0xD800, $0x38;
	[tilespmem:$0x1B000] =	vst v63  }
0x86: {  	_ =	swait.ge [sflag:s4], $0xD800  }
0x87: {  	[sflag:s4] =	ssyncset.done $0x0  }
0x88: {  	s30 =	sadd.s32 s31, s0;
	[sflag:s4] =	ssyncadd.s32 $0xFFFF2800  }
0x89: {  	[hbm4b:s30+s2] =	stream.linear.scatter [tilespmem:s2], [sflag:$0x3], $0xD800, $0x38;
	[tilespmem:$0x1B000] =	vst v63  }
0x8a: {  	_ =	swait.ge [sflag:s6], $0xD800  }
0x8b: {  	[sflag:s6] =	ssyncset.done $0x0;
	s1 =	rddreg [dreg:$0xd]  }
0x8c: {  	s31 =	sadd.s32 s31, s8;
	s0 =	ssub.s32 $0x2, s1;
	[sflag:s6] =	ssyncadd.s32 $0xFFFF2800  }
0x8d: {  	[hbm4b:s31+s2] =	stream.linear.scatter [tilespmem:s3], [sflag:$0x4], $0xD800, $0x38;
	[tilespmem:$0x1B000] =	vst v63  }
0x8e: {  	s8 =	sshrl.u32 s0, $0x1  }
0x8f: {  	s0 =	ssub.s32 s0, s8  }
0x90: {  	s0 =	smax.u32 s0, $0x1  }
0x91: {  	p0 =	sne.s32 s0, $0x1  }
.Ltmp0:
0x92: {  	_ =	swait.ge [sflag:s5], $0xD800;
	(pc) =	sbr.rel @!p0 .LBB2_2-.Ltmp0, $4  }
0x93: {  	[sflag:s5] =	ssyncset.done $0x0  }
0x94: {  	[sflag:s5] =	ssyncadd.s32 $0xFFFF2800  }
0x95: {  	_ =	swait.ge [sflag:s7], $0xD800  }
0x96: {  	s1 =	sadd.s32 $0xFFFFFFFF, s0;
	[sflag:s7] =	ssyncset.done $0x0  }
.LBB2_1:
0x97: {  	s0 =	rddreg [dreg:$0x3];
	[sflag:s7] =	ssyncadd.s32 $0xFFFF2800  }
0x98: {  	[tilespmem:s2], [sflag:$0x1] =	stream.linear.gather [hbm4b:s0+s2], $0xD800, $0x38;
	[tilespmem:$0x1B000] =	vst v63  }
0x99: {  	s8 =	rddreg [dreg:$0x4]  }
0x9a: {  	[tilespmem:s3], [sflag:$0x2] =	stream.linear.gather [hbm4b:s8+s2], $0xD800, $0x38;
	[tilespmem:$0x1B000] =	vst v63  }
0x9b: {  	_ =	swait.ge [sflag:s4], $0xD800  }
0x9c: {  	[sflag:s4] =	ssyncset.done $0x0  }
0x9d: {  	s8 =	rddreg [dreg:$0x5];
	[sflag:s4] =	ssyncadd.s32 $0xFFFF2800  }
0x9e: {  	[hbm4b:s8+s2] =	stream.linear.scatter [tilespmem:s2], [sflag:$0x3], $0xD800, $0x38;
	[tilespmem:$0x1B000] =	vst v63  }
0x9f: {  	_ =	swait.ge [sflag:s5], $0xD800  }
0xa0: {  	[sflag:s5] =	ssyncset.done $0x0  }
0xa1: {  	s8 =	rddreg [dreg:$0x6];
	[sflag:s5] =	ssyncadd.s32 $0xFFFF2800  }
0xa2: {  	[tilespmem:s2], [sflag:$0x1] =	stream.linear.gather [hbm4b:s8+s2], $0xD800, $0x38;
	[tilespmem:$0x1B000] =	vst v63  }
0xa3: {  	_ =	swait.ge [sflag:s6], $0xD800  }
0xa4: {  	[sflag:s6] =	ssyncset.done $0x0  }
0xa5: {  	s8 =	rddreg [dreg:$0x7];
	[sflag:s6] =	ssyncadd.s32 $0xFFFF2800  }
0xa6: {  	[hbm4b:s8+s2] =	stream.linear.scatter [tilespmem:s3], [sflag:$0x4], $0xD800, $0x38;
	[tilespmem:$0x1B000] =	vst v63  }
0xa7: {  	_ =	swait.ge [sflag:s7], $0xD800  }
0xa8: {  	[sflag:s7] =	ssyncset.done $0x0  }
0xa9: {  	s8 =	rddreg [dreg:$0x8];
	[sflag:s7] =	ssyncadd.s32 $0xFFFF2800  }
0xaa: {  	[tilespmem:s3], [sflag:$0x2] =	stream.linear.gather [hbm4b:s8+s2], $0xD800, $0x38;
	[tilespmem:$0x1B000] =	vst v63  }
0xab: {  	_ =	swait.ge [sflag:s4], $0xD800  }
0xac: {  	[sflag:s4] =	ssyncset.done $0x0  }
0xad: {  	s8 =	rddreg [dreg:$0x9];
	[sflag:s4] =	ssyncadd.s32 $0xFFFF2800  }
0xae: {  	[hbm4b:s8+s2] =	stream.linear.scatter [tilespmem:s2], [sflag:$0x3], $0xD800, $0x38;
	[tilespmem:$0x1B000] =	vst v63  }
0xaf: {  	_ =	swait.ge [sflag:s5], $0xD800  }
0xb0: {  	[sflag:s5] =	ssyncset.done $0x0  }
0xb1: {  	s8 =	rddreg [dreg:$0xa];
	[sflag:s5] =	ssyncadd.s32 $0xFFFF2800  }
0xb2: {  	[tilespmem:s2], [sflag:$0x1] =	stream.linear.gather [hbm4b:s8+s2], $0xD800, $0x38;
	[tilespmem:$0x1B000] =	vst v63  }
0xb3: {  	_ =	swait.ge [sflag:s6], $0xD800  }
0xb4: {  	[sflag:s6] =	ssyncset.done $0x0  }
0xb5: {  	s8 =	rddreg [dreg:$0xb];
	[sflag:s6] =	ssyncadd.s32 $0xFFFF2800  }
0xb6: {  	[hbm4b:s8+s2] =	stream.linear.scatter [tilespmem:s3], [sflag:$0x4], $0xD800, $0x38;
	[tilespmem:$0x1B000] =	vst v63  }
0xb7: {  	_ =	swait.ge [sflag:s7], $0xD800  }
0xb8: {  	[sflag:s7] =	ssyncset.done $0x0  }
0xb9: {  	s8 =	rddreg [dreg:$0xc];
	[sflag:s7] =	ssyncadd.s32 $0xFFFF2800  }
0xba: {  	[tilespmem:s3], [sflag:$0x2] =	stream.linear.gather [hbm4b:s8+s2], $0xD800, $0x38;
	[tilespmem:$0x1B000] =	vst v63  }
0xbb: {  	_ =	swait.ge [sflag:s4], $0xD800  }
0xbc: {  	[sflag:s4] =	ssyncset.done $0x0  }
0xbd: {  	[sflag:s4] =	ssyncadd.s32 $0xFFFF2800  }
0xbe: {  	[hbm4b:s9+s2] =	stream.linear.scatter [tilespmem:s2], [sflag:$0x3], $0xD800, $0x38;
	[tilespmem:$0x1B000] =	vst v63  }
0xbf: {  	_ =	swait.ge [sflag:s5], $0xD800  }
0xc0: {  	[sflag:s5] =	ssyncset.done $0x0  }
0xc1: {  	[sflag:s5] =	ssyncadd.s32 $0xFFFF2800  }
0xc2: {  	[tilespmem:s2], [sflag:$0x1] =	stream.linear.gather [hbm4b:s10+s2], $0xD800, $0x38;
	[tilespmem:$0x1B000] =	vst v63  }
0xc3: {  	_ =	swait.ge [sflag:s6], $0xD800  }
0xc4: {  	[sflag:s6] =	ssyncset.done $0x0  }
0xc5: {  	[sflag:s6] =	ssyncadd.s32 $0xFFFF2800  }
0xc6: {  	[hbm4b:s11+s2] =	stream.linear.scatter [tilespmem:s3], [sflag:$0x4], $0xD800, $0x38;
	[tilespmem:$0x1B000] =	vst v63  }
0xc7: {  	_ =	swait.ge [sflag:s7], $0xD800  }
0xc8: {  	[sflag:s7] =	ssyncset.done $0x0  }
0xc9: {  	[sflag:s7] =	ssyncadd.s32 $0xFFFF2800  }
0xca: {  	[tilespmem:s3], [sflag:$0x2] =	stream.linear.gather [hbm4b:s12+s2], $0xD800, $0x38;
	[tilespmem:$0x1B000] =	vst v63  }
0xcb: {  	_ =	swait.ge [sflag:s4], $0xD800  }
0xcc: {  	[sflag:s4] =	ssyncset.done $0x0  }
0xcd: {  	[sflag:s4] =	ssyncadd.s32 $0xFFFF2800  }
0xce: {  	[hbm4b:s13+s2] =	stream.linear.scatter [tilespmem:s2], [sflag:$0x3], $0xD800, $0x38;
	[tilespmem:$0x1B000] =	vst v63  }
0xcf: {  	_ =	swait.ge [sflag:s5], $0xD800  }
0xd0: {  	[sflag:s5] =	ssyncset.done $0x0  }
0xd1: {  	[sflag:s5] =	ssyncadd.s32 $0xFFFF2800  }
0xd2: {  	[tilespmem:s2], [sflag:$0x1] =	stream.linear.gather [hbm4b:s14+s2], $0xD800, $0x38;
	[tilespmem:$0x1B000] =	vst v63  }
0xd3: {  	_ =	swait.ge [sflag:s6], $0xD800  }
0xd4: {  	[sflag:s6] =	ssyncset.done $0x0  }
0xd5: {  	[sflag:s6] =	ssyncadd.s32 $0xFFFF2800  }
0xd6: {  	[hbm4b:s15+s2] =	stream.linear.scatter [tilespmem:s3], [sflag:$0x4], $0xD800, $0x38;
	[tilespmem:$0x1B000] =	vst v63  }
0xd7: {  	_ =	swait.ge [sflag:s7], $0xD800  }
0xd8: {  	[sflag:s7] =	ssyncset.done $0x0  }
0xd9: {  	[sflag:s7] =	ssyncadd.s32 $0xFFFF2800  }
0xda: {  	[tilespmem:s3], [sflag:$0x2] =	stream.linear.gather [hbm4b:s16+s2], $0xD800, $0x38;
	[tilespmem:$0x1B000] =	vst v63  }
0xdb: {  	_ =	swait.ge [sflag:s4], $0xD800  }
0xdc: {  	[sflag:s4] =	ssyncset.done $0x0  }
0xdd: {  	[sflag:s4] =	ssyncadd.s32 $0xFFFF2800  }
0xde: {  	[hbm4b:s17+s2] =	stream.linear.scatter [tilespmem:s2], [sflag:$0x3], $0xD800, $0x38;
	[tilespmem:$0x1B000] =	vst v63  }
0xdf: {  	_ =	swait.ge [sflag:s5], $0xD800  }
0xe0: {  	[sflag:s5] =	ssyncset.done $0x0  }
0xe1: {  	[sflag:s5] =	ssyncadd.s32 $0xFFFF2800  }
0xe2: {  	[tilespmem:s2], [sflag:$0x1] =	stream.linear.gather [hbm4b:s18+s2], $0xD800, $0x38;
	[tilespmem:$0x1B000] =	vst v63  }
0xe3: {  	_ =	swait.ge [sflag:s6], $0xD800  }
0xe4: {  	[sflag:s6] =	ssyncset.done $0x0  }
0xe5: {  	[sflag:s6] =	ssyncadd.s32 $0xFFFF2800  }
0xe6: {  	[hbm4b:s19+s2] =	stream.linear.scatter [tilespmem:s3], [sflag:$0x4], $0xD800, $0x38;
	[tilespmem:$0x1B000] =	vst v63  }
0xe7: {  	_ =	swait.ge [sflag:s7], $0xD800  }
0xe8: {  	[sflag:s7] =	ssyncset.done $0x0  }
0xe9: {  	[sflag:s7] =	ssyncadd.s32 $0xFFFF2800  }
0xea: {  	[tilespmem:s3], [sflag:$0x2] =	stream.linear.gather [hbm4b:s20+s2], $0xD800, $0x38;
	[tilespmem:$0x1B000] =	vst v63  }
0xeb: {  	_ =	swait.ge [sflag:s4], $0xD800  }
0xec: {  	[sflag:s4] =	ssyncset.done $0x0  }
0xed: {  	[sflag:s4] =	ssyncadd.s32 $0xFFFF2800  }
0xee: {  	[hbm4b:s21+s2] =	stream.linear.scatter [tilespmem:s2], [sflag:$0x3], $0xD800, $0x38;
	[tilespmem:$0x1B000] =	vst v63  }
0xef: {  	_ =	swait.ge [sflag:s5], $0xD800  }
0xf0: {  	[sflag:s5] =	ssyncset.done $0x0  }
0xf1: {  	[sflag:s5] =	ssyncadd.s32 $0xFFFF2800  }
0xf2: {  	[tilespmem:s2], [sflag:$0x1] =	stream.linear.gather [hbm4b:s22+s2], $0xD800, $0x38;
	[tilespmem:$0x1B000] =	vst v63  }
0xf3: {  	_ =	swait.ge [sflag:s6], $0xD800  }
0xf4: {  	[sflag:s6] =	ssyncset.done $0x0  }
0xf5: {  	[sflag:s6] =	ssyncadd.s32 $0xFFFF2800  }
0xf6: {  	[hbm4b:s23+s2] =	stream.linear.scatter [tilespmem:s3], [sflag:$0x4], $0xD800, $0x38;
	[tilespmem:$0x1B000] =	vst v63  }
0xf7: {  	_ =	swait.ge [sflag:s7], $0xD800  }
0xf8: {  	[sflag:s7] =	ssyncset.done $0x0  }
0xf9: {  	[sflag:s7] =	ssyncadd.s32 $0xFFFF2800  }
0xfa: {  	[tilespmem:s3], [sflag:$0x2] =	stream.linear.gather [hbm4b:s24+s2], $0xD800, $0x38;
	[tilespmem:$0x1B000] =	vst v63  }
0xfb: {  	_ =	swait.ge [sflag:s4], $0xD800  }
0xfc: {  	[sflag:s4] =	ssyncset.done $0x0  }
0xfd: {  	[sflag:s4] =	ssyncadd.s32 $0xFFFF2800  }
0xfe: {  	[hbm4b:s25+s2] =	stream.linear.scatter [tilespmem:s2], [sflag:$0x3], $0xD800, $0x38;
	[tilespmem:$0x1B000] =	vst v63  }
0xff: {  	_ =	swait.ge [sflag:s5], $0xD800  }
0x100: {  	[sflag:s5] =	ssyncset.done $0x0  }
0x101: {  	[sflag:s5] =	ssyncadd.s32 $0xFFFF2800  }
0x102: {  	[tilespmem:s2], [sflag:$0x1] =	stream.linear.gather [hbm4b:s26+s2], $0xD800, $0x38;
	[tilespmem:$0x1B000] =	vst v63  }
0x103: {  	_ =	swait.ge [sflag:s6], $0xD800  }
0x104: {  	[sflag:s6] =	ssyncset.done $0x0  }
0x105: {  	[sflag:s6] =	ssyncadd.s32 $0xFFFF2800  }
0x106: {  	[hbm4b:s28+s2] =	stream.linear.scatter [tilespmem:s3], [sflag:$0x4], $0xD800, $0x38;
	[tilespmem:$0x1B000] =	vst v63  }
0x107: {  	_ =	swait.ge [sflag:s7], $0xD800  }
0x108: {  	[sflag:s7] =	ssyncset.done $0x0  }
0x109: {  	[sflag:s7] =	ssyncadd.s32 $0xFFFF2800  }
0x10a: {  	[tilespmem:s3], [sflag:$0x2] =	stream.linear.gather [hbm4b:s29+s2], $0xD800, $0x38;
	[tilespmem:$0x1B000] =	vst v63  }
0x10b: {  	_ =	swait.ge [sflag:s4], $0xD800  }
0x10c: {  	[sflag:s4] =	ssyncset.done $0x0  }
0x10d: {  	[sflag:s4] =	ssyncadd.s32 $0xFFFF2800  }
0x10e: {  	[hbm4b:s30+s2] =	stream.linear.scatter [tilespmem:s2], [sflag:$0x3], $0xD800, $0x38;
	[tilespmem:$0x1B000] =	vst v63  }
0x10f: {  	_ =	swait.ge [sflag:s6], $0xD800  }
0x110: {  	[sflag:s6] =	ssyncset.done $0x0  }
0x111: {  	p0 =	sne.s32 s1, $0x1;
	[sflag:s6] =	ssyncadd.s32 $0xFFFF2800  }
0x112: {  	[hbm4b:s31+s2] =	stream.linear.scatter [tilespmem:s3], [sflag:$0x4], $0xD800, $0x38;
	[tilespmem:$0x1B000] =	vst v63  }
.Ltmp1:
0x113: {  	_ =	swait.ge [sflag:s5], $0xD800;
	(pc) =	sbr.rel @p0 .LBB2_1-.Ltmp1, $4  }
0x114: {  	[sflag:s5] =	ssyncset.done $0x0  }
0x115: {  	[sflag:s5] =	ssyncadd.s32 $0xFFFF2800  }
0x116: {  	_ =	swait.ge [sflag:s7], $0xD800  }
0x117: {  	s1 =	sadd.s32 $0xFFFFFFFF, s1;
	[sflag:s7] =	ssyncset.done $0x0  }
.LBB2_2:
0x118: {  	[sflag:s7] =	ssyncadd.s32 $0xFFFF2800  }
0x119: {  	_ =	sfence.sel $0x180000  }
0x11a: {  	[bflag:$0x0] =	sbarrier.arrive $0xFFFF  }
0x11b: {  	_ =	strace $0x90000047  }
0x11c: {  	s0 =	stileid.u32;
	[bflag:$0x2] =	sbarrier.arrive $0xFFFF  }
0x11d: {  	p0 =	sne.s32 s0, $0x0;
	s0 =	rddreg [dreg:$0x2]  }
0x11e: {  	s0 =	sadd.s32 @!p0 $0x100000, s0  }
0x11f: {  	[sflag:s0] =	ssyncadd.tile.s32 @!p0 $0x1;
	_ =	shalt  }
.Lfunc_end2:
_tile_overlayer_lowered:
.L_overlay_start_2:
0x120: {  	(tag) =	ssettag $0x2  }
0x121: {  	s0 =	rddreg [dreg:$0x0];
	s2 =	stileid.u32  }
0x122: {  	s1 =	rddreg [dreg:$0x1];
	p0 =	sne.s32 s2, $0x0  }
0x123: {  	s3 =	rddreg [dreg:$0x2];
	[bflag:$0x3] =	sbarrier.arrive $0xFFFF;
	s2 =	simm.s32 @!p0 $0x1C05  }
0x124: {  	[timem:s3], [sflag:s2] =	dma.local @!p0 [hbm:s0], s1  }
0x125: {  	s0 =	simm.s32 @!p0 $0x5  }
0x126: {  	_ =	swait.ge @!p0 [sflag:s0], s1  }
0x127: {  	s1 =	ssub.s32 @!p0 $0x0, s1;
	[sflag:s0] =	ssyncset.done @!p0 $0x0  }
0x128: {  	[sflag:s0] =	ssyncadd.s32 @!p0 s1  }
0x129: {  	[bflag:$0x3] =	sbarrier.arrive $0xFFFF  }
0x12a: {  	_ =	shalt  }

</sc_bundles>
